<compile_context>
chip_gen: v7x
topology: tpu7x:2x2x1
jax: 0.10.2.dev20260603
libtpu: 0.0.44.dev20260713+nightly
codegen_flags: <defaults>
</compile_context>

<pallas_src>
import jax
import jax.numpy as jnp
from jax import lax
from jax.experimental import pallas as pl
from jax.experimental.pallas import tpu as pltpu
import jax.experimental.pallas.tpu_sc as plsc

N_NODES = 10000
E = 160000
D_IN = 16
D_OUT = 32
D_EDGE = 16
HIDDEN = 16

NC = 2
NS = 16
NW = NC * NS
CHUNK = 128
NCHUNK = E // CHUNK
MAXCPW = -(-NCHUNK // NW)
WIDTH = 40
N_PAD = 10240
ROWS_PS = N_PAD // NS


def _sc_mesh():
  return plsc.VectorSubcoreMesh(
      core_axis_name="c", subcore_axis_name="s", num_cores=NC, num_subcores=NS)


def _worker_range(wid):
  c0 = (wid * NCHUNK) // NW
  c1 = ((wid + 1) * NCHUNK) // NW
  return c0, c1


def _gather_body(node_hbm, ei2_hbm, x1_hbm, idx_v, buf_v, sem):
  c = lax.axis_index("c")
  s = lax.axis_index("s")
  wid = s * NC + c
  c0, c1 = _worker_range(wid)
  t = c1 - c0
  pltpu.sync_copy(ei2_hbm.at[1, pl.ds(c0, MAXCPW)], idx_v)

  def fire(j, _):
    pltpu.async_copy(node_hbm.at[idx_v.at[j]],
                     buf_v.at[pl.ds(j * CHUNK, CHUNK)], sem)
    return _

  lax.fori_loop(0, t, fire, 0, unroll=False)
  base = c0 * CHUNK
  low = (MAXCPW - 1) * CHUNK
  pltpu.make_async_copy(x1_hbm.at[pl.ds(0, low)],
                        buf_v.at[pl.ds(0, low)], sem).wait()

  @pl.when(t == MAXCPW)
  def _():
    pltpu.make_async_copy(x1_hbm.at[pl.ds(0, CHUNK)],
                          buf_v.at[pl.ds(0, CHUNK)], sem).wait()

  pltpu.sync_copy(buf_v.at[pl.ds(0, low)], x1_hbm.at[pl.ds(base, low)])

  @pl.when(t == MAXCPW)
  def _():
    pltpu.sync_copy(buf_v.at[pl.ds(low, CHUNK)],
                    x1_hbm.at[pl.ds(base + low, CHUNK)])


def _gather(node_attr, ei2):
  return pl.kernel(
      _gather_body,
      out_type=jax.ShapeDtypeStruct((E, D_IN), jnp.float32),
      mesh=_sc_mesh(),
      scratch_types=[
          pltpu.VMEM((MAXCPW, CHUNK), jnp.int32),
          pltpu.VMEM((MAXCPW * CHUNK, D_IN), jnp.float32),
          pltpu.SemaphoreType.DMA,
      ],
      compiler_params=pltpu.CompilerParams(use_tc_tiling_on_sc=False),
  )(node_attr, ei2)


def _scatter_body(tpc_hbm, ei2_hbm, zeros_hbm, out_hbm, idx_v, val_v, acc_sh,
                  sem0, sem1):
  c = lax.axis_index("c")
  s = lax.axis_index("s")
  wid = s * NC + c
  c0, c1 = _worker_range(wid)
  t = c1 - c0
  pltpu.sync_copy(ei2_hbm.at[0, pl.ds(c0, MAXCPW)], idx_v)
  pltpu.sync_copy(zeros_hbm.at[pl.ds(s * ROWS_PS, ROWS_PS)],
                  acc_sh.at[pl.ds(s * ROWS_PS, ROWS_PS)])
  plsc.subcore_barrier()

  def load(j, slot, sem):
    pltpu.async_copy(tpc_hbm.at[pl.ds((c0 + j) * CHUNK, CHUNK)],
                     val_v.at[slot], sem)

  def wait(slot, sem):
    pltpu.make_async_copy(tpc_hbm.at[pl.ds(0, CHUNK)], val_v.at[slot],
                          sem).wait()

  load(0, 0, sem0)

  def step(j, carry):
    slot = lax.rem(j, 2)

    @pl.when(j + 1 < t)
    def _prefetch():
      @pl.when(slot == 0)
      def _p1():
        load(j + 1, 1, sem1)

      @pl.when(slot == 1)
      def _p0():
        load(j + 1, 0, sem0)

    @pl.when(slot == 0)
    def _s0():
      wait(0, sem0)
      pltpu.sync_copy(val_v.at[0], acc_sh.at[idx_v.at[j]], add=True)

    @pl.when(slot == 1)
    def _s1():
      wait(1, sem1)
      pltpu.sync_copy(val_v.at[1], acc_sh.at[idx_v.at[j]], add=True)

    return carry

  lax.fori_loop(0, t, step, 0, unroll=False)
  plsc.subcore_barrier()
  pltpu.sync_copy(acc_sh.at[pl.ds(s * ROWS_PS, ROWS_PS)],
                  out_hbm.at[pl.ds(c * N_PAD + s * ROWS_PS, ROWS_PS)])


def _scatter(tpc, ei2, zeros_np):
  return pl.kernel(
      _scatter_body,
      out_type=jax.ShapeDtypeStruct((NC * N_PAD, WIDTH), jnp.float32),
      mesh=_sc_mesh(),
      scratch_types=[
          pltpu.VMEM((MAXCPW, CHUNK), jnp.int32),
          pltpu.VMEM((2, CHUNK, WIDTH), jnp.float32),
          pltpu.VMEM_SHARED((N_PAD, WIDTH), jnp.float32),
          pltpu.SemaphoreType.DMA,
          pltpu.SemaphoreType.DMA,
      ],
      compiler_params=pltpu.CompilerParams(use_tc_tiling_on_sc=False),
  )(tpc, ei2, zeros_np)


def _mish(x):
  s = 1.0 + jnp.exp(jnp.minimum(x, 20.0))
  r = s * s
  return x * (r - 1.0) / (r + 1.0)


BE = 6400


def _dense_body(eat_ref, x1_ref, sht_ref, w1t_ref, b1c_ref, rr_ref, tt_ref,
                w2e_ref, out_ref):
  ht = _mish(jnp.dot(w1t_ref[...], eat_ref[...],
                     preferred_element_type=jnp.float32) + b1c_ref[...])
  h = jnp.transpose(ht, (1, 0))
  x1 = x1_ref[...]
  hrep = jnp.dot(h, rr_ref[...], preferred_element_type=jnp.float32)
  x1t = jnp.dot(x1, tt_ref[...], preferred_element_type=jnp.float32)
  ux = jnp.concatenate([hrep * x1t, x1], axis=1)
  tp0 = jnp.dot(ux, w2e_ref[...], preferred_element_type=jnp.float32)
  tp = tp0 * jnp.transpose(sht_ref[...], (1, 0))
  out_ref[...] = jnp.concatenate(
      [tp, jnp.ones((BE, WIDTH - D_OUT), jnp.float32)], axis=1)


def _dense(eat, x1, sht, w1t, b1c, rr, tt, w2e):
  grid = (E // BE,)
  return pl.pallas_call(
      _dense_body,
      grid=grid,
      in_specs=[
          pl.BlockSpec((D_EDGE, BE), lambda i: (0, i)),
          pl.BlockSpec((BE, D_IN), lambda i: (i, 0)),
          pl.BlockSpec((1, BE), lambda i: (0, i)),
          pl.BlockSpec((HIDDEN, D_EDGE), lambda i: (0, 0)),
          pl.BlockSpec((HIDDEN, 1), lambda i: (0, 0)),
          pl.BlockSpec((HIDDEN, 256), lambda i: (0, 0)),
          pl.BlockSpec((D_IN, 256), lambda i: (0, 0)),
          pl.BlockSpec((272, D_OUT), lambda i: (0, 0)),
      ],
      out_specs=pl.BlockSpec((BE, WIDTH), lambda i: (i, 0)),
      out_shape=jax.ShapeDtypeStruct((E, WIDTH), jnp.float32),
  )(eat, x1, sht, w1t, b1c, rr, tt, w2e)


BN = 400


def _combine_body(p0_ref, p1_ref, na_ref, out_ref):
  p0 = p0_ref[...]
  p1 = p1_ref[...]
  ssum = p0[:, :D_OUT] + p1[:, :D_OUT]
  cnt = p0[:, D_OUT:D_OUT + 1] + p1[:, D_OUT:D_OUT + 1]
  res = jnp.concatenate(
      [na_ref[...], jnp.zeros((BN, D_OUT - D_IN), jnp.float32)], axis=1)
  out_ref[...] = ssum / jnp.maximum(cnt, 1.0) + res


def _combine(p0, p1, na):
  grid = (N_NODES // BN,)
  return pl.pallas_call(
      _combine_body,
      grid=grid,
      in_specs=[
          pl.BlockSpec((BN, WIDTH), lambda i: (i, 0)),
          pl.BlockSpec((BN, WIDTH), lambda i: (i, 0)),
          pl.BlockSpec((BN, D_IN), lambda i: (i, 0)),
      ],
      out_specs=pl.BlockSpec((BN, D_OUT), lambda i: (i, 0)),
      out_shape=jax.ShapeDtypeStruct((N_NODES, D_OUT), jnp.float32),
  )(p0, p1, na)


@jax.jit
def kernel(node_attr, edge_index, edge_attr, edge_sh, W1, b1, W2, b2):
  ei2 = edge_index.astype(jnp.int32).reshape(2, NCHUNK, CHUNK)
  j = jnp.arange(256)
  rr = (j[None, :] // 16 == jnp.arange(HIDDEN)[:, None]).astype(jnp.float32)
  tt = (j[None, :] % 16 == jnp.arange(D_IN)[:, None]).astype(jnp.float32)
  w2r = W2.reshape(HIDDEN, D_IN, D_OUT).reshape(HIDDEN * D_IN, D_OUT)
  b2r = b2.reshape(D_IN, D_OUT)
  w2e = jnp.concatenate([w2r, b2r], axis=0) * 0.25
  b1c = b1.reshape(HIDDEN, 1)
  zeros_np = jnp.zeros((N_PAD, WIDTH), jnp.float32)

  x1 = _gather(node_attr, ei2)
  tpc = _dense(edge_attr.T, x1, edge_sh.T, W1.T, b1c, rr, tt, w2e)
  partials = _scatter(tpc, ei2, zeros_np)
  return _combine(partials[:N_NODES], partials[N_PAD:N_PAD + N_NODES],
                  node_attr)

# --- scband reference (transcript-rebuilt; emitter-appended) ---
"""Pipeline reference for scband-old-tensor-product-conv-layer-18760417149590 (READ-ONLY COPY).

The authoritative reference and input builder live on the scoring server;
editing this copy changes nothing except your own understanding.
"""

import jax, jax.numpy as jnp
import numpy as np

N_NODES = 10000
E = 160000
D_IN = 16    # in_irreps = 16x0e
D_OUT = 32   # out_irreps = 32x0e
D_SH = 1     # sh_irreps = 1x0e
D_EDGE = 16  # n_edge_features
HIDDEN = 16  # hidden_features
WNUM = D_IN * D_SH * D_OUT  # tp.weight_numel = 512


def mish(x):
    return x * jnp.tanh(jax.nn.softplus(x))


def setup_inputs(seed: int = 0) -> dict:
    key = jax.random.key(seed)
    ks = jax.random.split(key, 9)
    node_attr = jax.random.normal(ks[0], (N_NODES, D_IN), dtype=jnp.float32)
    edge_index = jax.random.randint(ks[1], (2, E), 0, N_NODES)
    edge_attr = jax.random.normal(ks[2], (E, D_EDGE), dtype=jnp.float32)
    edge_sh = jax.random.normal(ks[3], (E, D_SH), dtype=jnp.float32)
    # fc: Linear(n_edge_features, hidden) -> Mish -> Dropout(0) -> Linear(hidden, weight_numel)
    W1 = jax.random.normal(ks[4], (D_EDGE, HIDDEN), dtype=jnp.float32) / np.sqrt(D_EDGE)
    b1 = jnp.zeros((HIDDEN,), dtype=jnp.float32)
    W2 = jax.random.normal(ks[5], (HIDDEN, WNUM), dtype=jnp.float32) / np.sqrt(HIDDEN)
    b2 = jnp.zeros((WNUM,), dtype=jnp.float32)
    return {"node_attr": node_attr, "edge_index": edge_index, "edge_attr": edge_attr,
            "edge_sh": edge_sh, "W1": W1, "b1": b1, "W2": W2, "b2": b2}


def reference(node_attr, edge_index, edge_attr, edge_sh, W1, b1, W2, b2):
    edge_src = edge_index[0]
    edge_dst = edge_index[1]
    # fc(edge_attr) -> per-edge tensor-product weights
    h = mish(edge_attr @ W1 + b1)  # Dropout(p=0.0) is identity
    w = (h @ W2 + b2).reshape(E, D_IN, D_OUT)
    # FullyConnectedTensorProduct(16x0e, 1x0e -> 32x0e), shared_weights=False:
    # all-scalar irreps -> out[e,o] = sum_i x1[e,i] * sh[e,0] * w[e,i,o] / sqrt(fan_in)
    x1 = node_attr[edge_dst]  # gather
    tp = jnp.einsum('ei,e,eio->eo', x1, edge_sh[:, 0], w) / jnp.sqrt(float(D_IN * D_SH))
    # scatter(tp, edge_src, dim=0, dim_size=N, reduce='mean')
    seg_sum = jax.ops.segment_sum(tp, edge_src, num_segments=N_NODES)
    cnt = jax.ops.segment_sum(jnp.ones((E,), dtype=jnp.float32), edge_src, num_segments=N_NODES)
    out = seg_sum / jnp.clip(cnt, 1.0, None)[:, None]
    # residual: F.pad(node_attr, (0, D_OUT - D_IN)) + out
    padded = jnp.pad(node_attr, ((0, 0), (0, D_OUT - D_IN)))
    out = out + padded
    # batch_norm=False, sfmx=False -> done
    return out

if __name__ == "__main__":
    import jax
    _d = setup_inputs()
    print(jax.jit(kernel)(*tuple(_d.values())))

</pallas_src>

<mosaic_0001>
#map = affine_map<(d0, d1) -> (0, 0)>
#map1 = affine_map<(d0, d1) -> (0, 0, 0)>
module attributes {stable_mosaic.version = 14 : i64} {
  func.func @_gather_body(%arg0: i32, %arg1: i32, %arg2: memref<10000x16xf32, #tpu.memory_space<hbm>>, %arg3: memref<2x1250x128xi32, #tpu.memory_space<hbm>>, %arg4: memref<160000x16xf32, #tpu.memory_space<hbm>>, %arg5: memref<40x128xi32, #tpu.memory_space<vmem>>, %arg6: memref<5120x16xf32, #tpu.memory_space<vmem>>, %arg7: memref<!tpu.dma_semaphore, #tpu.memory_space<semaphore_mem>>) attributes {dimension_semantics = [#tpu.dimension_semantics<core_parallel>, #tpu.dimension_semantics<subcore_parallel>], iteration_bounds = array<i64: 2, 16>, scalar_prefetch = 0 : i64, scratch_operands = 3 : i64, tpu.core_type = #tpu.core_type<sc_vector_subcore>, window_params = [{transform_indices = #map}, {transform_indices = #map1}, {transform_indices = #map}]} {
    %mul3A = arith.constant 2 : i32
    %mul3A_0 = arith.muli %arg1, %mul3A : i32
    %add3A = arith.addi %mul3A_0, %arg0 : i32
    %mul3A_1 = arith.constant 1250 : i32
    %mul3A_2 = arith.muli %add3A, %mul3A_1 : i32
    %jit3A = arith.constant 32 : i32
    %div3A = arith.divsi %mul3A_2, %jit3A : i32
    %sign3A = arith.constant 0 : i32
    %sign3A_3 = arith.cmpi sgt, %mul3A_2, %sign3A : i32
    %sign3A_4 = arith.extui %sign3A_3 : i1 to i32
    %sign3A_5 = arith.constant 0 : i32
    %sign3A_6 = arith.cmpi slt, %mul3A_2, %sign3A_5 : i32
    %sign3A_7 = arith.extui %sign3A_6 : i1 to i32
    %sign3A_8 = arith.subi %sign3A_4, %sign3A_7 : i32
    %sign3A_9 = arith.constant 0 : i32
    %sign3A_10 = arith.cmpi sgt, %jit3A, %sign3A_9 : i32
    %sign3A_11 = arith.extui %sign3A_10 : i1 to i32
    %sign3A_12 = arith.constant 0 : i32
    %sign3A_13 = arith.cmpi slt, %jit3A, %sign3A_12 : i32
    %sign3A_14 = arith.extui %sign3A_13 : i1 to i32
    %sign3A_15 = arith.subi %sign3A_11, %sign3A_14 : i32
    %ne3A = arith.cmpi ne, %sign3A_8, %sign3A_15 : i32
    %rem3A = arith.remsi %mul3A_2, %jit3A : i32
    %ne3A_16 = arith.constant 0 : i32
    %ne3A_17 = arith.cmpi ne, %rem3A, %ne3A_16 : i32
    %and3A = arith.andi %ne3A, %ne3A_17 : i1
    %sub3A = arith.constant 1 : i32
    %sub3A_18 = arith.subi %div3A, %sub3A : i32
    %select_n3A = arith.select %and3A, %sub3A_18, %div3A : i32
    %add3A_19 = arith.constant 1 : i32
    %add3A_20 = arith.addi %add3A, %add3A_19 : i32
    %mul3A_21 = arith.constant 1250 : i32
    %mul3A_22 = arith.muli %add3A_20, %mul3A_21 : i32
    %jit3A_23 = arith.constant 32 : i32
    %div3A_24 = arith.divsi %mul3A_22, %jit3A_23 : i32
    %sign3A_25 = arith.constant 0 : i32
    %sign3A_26 = arith.cmpi sgt, %mul3A_22, %sign3A_25 : i32
    %sign3A_27 = arith.extui %sign3A_26 : i1 to i32
    %sign3A_28 = arith.constant 0 : i32
    %sign3A_29 = arith.cmpi slt, %mul3A_22, %sign3A_28 : i32
    %sign3A_30 = arith.extui %sign3A_29 : i1 to i32
    %sign3A_31 = arith.subi %sign3A_27, %sign3A_30 : i32
    %sign3A_32 = arith.constant 0 : i32
    %sign3A_33 = arith.cmpi sgt, %jit3A_23, %sign3A_32 : i32
    %sign3A_34 = arith.extui %sign3A_33 : i1 to i32
    %sign3A_35 = arith.constant 0 : i32
    %sign3A_36 = arith.cmpi slt, %jit3A_23, %sign3A_35 : i32
    %sign3A_37 = arith.extui %sign3A_36 : i1 to i32
    %sign3A_38 = arith.subi %sign3A_34, %sign3A_37 : i32
    %ne3A_39 = arith.cmpi ne, %sign3A_31, %sign3A_38 : i32
    %rem3A_40 = arith.remsi %mul3A_22, %jit3A_23 : i32
    %ne3A_41 = arith.constant 0 : i32
    %ne3A_42 = arith.cmpi ne, %rem3A_40, %ne3A_41 : i32
    %and3A_43 = arith.andi %ne3A_39, %ne3A_42 : i1
    %sub3A_44 = arith.constant 1 : i32
    %sub3A_45 = arith.subi %div3A_24, %sub3A_44 : i32
    %select_n3A_46 = arith.select %and3A_43, %sub3A_45, %div3A_24 : i32
    %sub3A_47 = arith.subi %select_n3A_46, %select_n3A : i32
    %run_scoped3A = arith.constant 1 : i32
    "tpu.region"() ({
      %run_scoped3A_77 = tpu.sem_alloc : memref<!tpu.dma_semaphore, #tpu.memory_space<semaphore_mem>>
      %dma_start3A = arith.constant 0 : i32
      %dma_start3A_78 = tpu.memref_slice %arg3[%run_scoped3A, %select_n3A, %dma_start3A] : memref<2x1250x128xi32, #tpu.memory_space<hbm>> -> memref<1x40x128xi32, #tpu.memory_space<hbm>>
      %dma_start3A_79 = tpu.memref_squeeze %dma_start3A_78 : memref<1x40x128xi32, #tpu.memory_space<hbm>> -> memref<40x128xi32, #tpu.memory_space<hbm>>
      %dma_start3A_80 = arith.constant 0 : i32
      %dma_start3A_81 = tpu.memref_slice %arg3[%run_scoped3A, %select_n3A, %dma_start3A_80] : memref<2x1250x128xi32, #tpu.memory_space<hbm>> -> memref<1x40x128xi32, #tpu.memory_space<hbm>>
      %dma_start3A_82 = tpu.memref_squeeze %dma_start3A_81 : memref<1x40x128xi32, #tpu.memory_space<hbm>> -> memref<40x128xi32, #tpu.memory_space<hbm>>
      tpu.enqueue_dma source(%dma_start3A_82 : memref<40x128xi32, #tpu.memory_space<hbm>>) target(%arg5 : memref<40x128xi32, #tpu.memory_space<vmem>>) target_semaphore(%run_scoped3A_77 : memref<!tpu.dma_semaphore, #tpu.memory_space<semaphore_mem>>)
      %dma_wait3A_83 = arith.constant 0 : i32
      %dma_wait3A_84 = tpu.memref_slice %arg3[%run_scoped3A, %select_n3A, %dma_wait3A_83] : memref<2x1250x128xi32, #tpu.memory_space<hbm>> -> memref<1x40x128xi32, #tpu.memory_space<hbm>>
      %dma_wait3A_85 = tpu.memref_squeeze %dma_wait3A_84 : memref<1x40x128xi32, #tpu.memory_space<hbm>> -> memref<40x128xi32, #tpu.memory_space<hbm>>
      %dma_wait3A_86 = arith.constant 0 : i32
      %dma_wait3A_87 = tpu.memref_slice %arg3[%run_scoped3A, %select_n3A, %dma_wait3A_86] : memref<2x1250x128xi32, #tpu.memory_space<hbm>> -> memref<1x40x128xi32, #tpu.memory_space<hbm>>
      %dma_wait3A_88 = tpu.memref_squeeze %dma_wait3A_87 : memref<1x40x128xi32, #tpu.memory_space<hbm>> -> memref<40x128xi32, #tpu.memory_space<hbm>>
      tpu.wait_dma2 semaphore(%run_scoped3A_77 : memref<!tpu.dma_semaphore, #tpu.memory_space<semaphore_mem>>) src(%dma_wait3A_88 : memref<40x128xi32, #tpu.memory_space<hbm>>) dst(%arg5 : memref<40x128xi32, #tpu.memory_space<vmem>>)
      tpu.yield
    }) : () -> ()
    %while3A = arith.constant 0 : i32
    %while3A_48 = arith.constant 0 : i32
    %while3A_49 = arith.subi %sub3A_47, %while3A_48 : i32
    %while3A_50 = arith.addi %while3A_48, %while3A_49 : i32
    %while3A_51 = arith.constant 1 : i32
    %while3A_52 = arith.divsi %while3A_49, %while3A_51 : i32
    %while3A_53 = arith.muli %while3A_52, %while3A_51 : i32
    %while3A_54 = arith.addi %while3A_48, %while3A_53 : i32
    %while3A_55 = arith.constant 1 : i32
    scf.for %while3A_77 = %while3A_48 to %while3A_54 step %while3A_55  : i32 {
      %mul3A_78 = arith.constant 128 : i32
      %mul3A_79 = arith.muli %while3A_77, %mul3A_78 : i32
      %dma_start3A = arith.constant 0 : i32
      %dma_start3A_80 = tpu.memref_slice %arg6[%mul3A_79, %dma_start3A] : memref<5120x16xf32, #tpu.memory_space<vmem>> -> memref<128x16xf32, #tpu.memory_space<vmem>>
      %dma_start3A_81 = arith.constant 0 : i32
      %dma_start3A_82 = tpu.memref_slice %arg5[%while3A_77, %dma_start3A_81] : memref<40x128xi32, #tpu.memory_space<vmem>> -> memref<1x128xi32, #tpu.memory_space<vmem>>
      %dma_start3A_83 = tpu.memref_squeeze %dma_start3A_82 : memref<1x128xi32, #tpu.memory_space<vmem>> -> memref<128xi32, #tpu.memory_space<vmem>>
      %dma_start3A_84 = arith.constant 0 : i32
      %dma_start3A_85 = arith.constant 0 : i32
      %dma_start3A_86 = tpu.memref_slice %arg2[%dma_start3A_84, %dma_start3A_85] : memref<10000x16xf32, #tpu.memory_space<hbm>> -> memref<10000x16xf32, #tpu.memory_space<hbm>>
      tpu.enqueue_indirect_dma source(%dma_start3A_86 : memref<10000x16xf32, #tpu.memory_space<hbm>>) target(%dma_start3A_80 : memref<128x16xf32, #tpu.memory_space<vmem>>) offsets(%dma_start3A_83 : memref<128xi32, #tpu.memory_space<vmem>>) semaphore(%arg7 : memref<!tpu.dma_semaphore, #tpu.memory_space<semaphore_mem>>)
    }
    %while3A_56 = arith.constant 1 : i32
    scf.for %while3A_77 = %while3A_54 to %while3A_50 step %while3A_56  : i32 {
      %mul3A_78 = arith.constant 128 : i32
      %mul3A_79 = arith.muli %while3A_77, %mul3A_78 : i32
      %dma_start3A = arith.constant 0 : i32
      %dma_start3A_80 = tpu.memref_slice %arg6[%mul3A_79, %dma_start3A] : memref<5120x16xf32, #tpu.memory_space<vmem>> -> memref<128x16xf32, #tpu.memory_space<vmem>>
      %dma_start3A_81 = arith.constant 0 : i32
      %dma_start3A_82 = tpu.memref_slice %arg5[%while3A_77, %dma_start3A_81] : memref<40x128xi32, #tpu.memory_space<vmem>> -> memref<1x128xi32, #tpu.memory_space<vmem>>
      %dma_start3A_83 = tpu.memref_squeeze %dma_start3A_82 : memref<1x128xi32, #tpu.memory_space<vmem>> -> memref<128xi32, #tpu.memory_space<vmem>>
      %dma_start3A_84 = arith.constant 0 : i32
      %dma_start3A_85 = arith.constant 0 : i32
      %dma_start3A_86 = tpu.memref_slice %arg2[%dma_start3A_84, %dma_start3A_85] : memref<10000x16xf32, #tpu.memory_space<hbm>> -> memref<10000x16xf32, #tpu.memory_space<hbm>>
      tpu.enqueue_indirect_dma source(%dma_start3A_86 : memref<10000x16xf32, #tpu.memory_space<hbm>>) target(%dma_start3A_80 : memref<128x16xf32, #tpu.memory_space<vmem>>) offsets(%dma_start3A_83 : memref<128xi32, #tpu.memory_space<vmem>>) semaphore(%arg7 : memref<!tpu.dma_semaphore, #tpu.memory_space<semaphore_mem>>)
    }
    %mul3A_57 = arith.constant 128 : i32
    %mul3A_58 = arith.muli %select_n3A, %mul3A_57 : i32
    %dma_wait3A = arith.constant 0 : i32
    %dma_wait3A_59 = arith.constant 0 : i32
    %dma_wait3A_60 = tpu.memref_slice %arg6[%dma_wait3A, %dma_wait3A_59] : memref<5120x16xf32, #tpu.memory_space<vmem>> -> memref<4992x16xf32, #tpu.memory_space<vmem>>
    %dma_wait3A_61 = arith.constant 0 : i32
    %dma_wait3A_62 = arith.constant 0 : i32
    %dma_wait3A_63 = tpu.memref_slice %arg4[%dma_wait3A_61, %dma_wait3A_62] : memref<160000x16xf32, #tpu.memory_space<hbm>> -> memref<4992x16xf32, #tpu.memory_space<hbm>>
    %dma_wait3A_64 = arith.constant 0 : i32
    %dma_wait3A_65 = arith.constant 0 : i32
    %dma_wait3A_66 = tpu.memref_slice %arg6[%dma_wait3A_64, %dma_wait3A_65] : memref<5120x16xf32, #tpu.memory_space<vmem>> -> memref<4992x16xf32, #tpu.memory_space<vmem>>
    %dma_wait3A_67 = arith.constant 0 : i32
    %dma_wait3A_68 = arith.constant 0 : i32
    %dma_wait3A_69 = tpu.memref_slice %arg4[%dma_wait3A_67, %dma_wait3A_68] : memref<160000x16xf32, #tpu.memory_space<hbm>> -> memref<4992x16xf32, #tpu.memory_space<hbm>>
    tpu.wait_dma2 semaphore(%arg7 : memref<!tpu.dma_semaphore, #tpu.memory_space<semaphore_mem>>) src(%dma_wait3A_69 : memref<4992x16xf32, #tpu.memory_space<hbm>>) dst(%dma_wait3A_66 : memref<4992x16xf32, #tpu.memory_space<vmem>>)
    %eq3A = arith.constant 40 : i32
    %eq3A_70 = arith.cmpi eq, %sub3A_47, %eq3A : i32
    %convert_element_type3A = arith.extui %eq3A_70 : i1 to i32
    %cond3A = arith.constant 0 : i32
    %cond3A_71 = arith.cmpi ne, %convert_element_type3A, %cond3A : i32
    scf.if %cond3A_71 {
      %dma_wait3A_77 = arith.constant 0 : i32
      %dma_wait3A_78 = arith.constant 0 : i32
      %dma_wait3A_79 = tpu.memref_slice %arg6[%dma_wait3A_77, %dma_wait3A_78] : memref<5120x16xf32, #tpu.memory_space<vmem>> -> memref<128x16xf32, #tpu.memory_space<vmem>>
      %dma_wait3A_80 = arith.constant 0 : i32
      %dma_wait3A_81 = arith.constant 0 : i32
      %dma_wait3A_82 = tpu.memref_slice %arg4[%dma_wait3A_80, %dma_wait3A_81] : memref<160000x16xf32, #tpu.memory_space<hbm>> -> memref<128x16xf32, #tpu.memory_space<hbm>>
      %dma_wait3A_83 = arith.constant 0 : i32
      %dma_wait3A_84 = arith.constant 0 : i32
      %dma_wait3A_85 = tpu.memref_slice %arg6[%dma_wait3A_83, %dma_wait3A_84] : memref<5120x16xf32, #tpu.memory_space<vmem>> -> memref<128x16xf32, #tpu.memory_space<vmem>>
      %dma_wait3A_86 = arith.constant 0 : i32
      %dma_wait3A_87 = arith.constant 0 : i32
      %dma_wait3A_88 = tpu.memref_slice %arg4[%dma_wait3A_86, %dma_wait3A_87] : memref<160000x16xf32, #tpu.memory_space<hbm>> -> memref<128x16xf32, #tpu.memory_space<hbm>>
      tpu.wait_dma2 semaphore(%arg7 : memref<!tpu.dma_semaphore, #tpu.memory_space<semaphore_mem>>) src(%dma_wait3A_88 : memref<128x16xf32, #tpu.memory_space<hbm>>) dst(%dma_wait3A_85 : memref<128x16xf32, #tpu.memory_space<vmem>>)
    } else {
    }
    "tpu.region"() ({
      %run_scoped3A_77 = tpu.sem_alloc : memref<!tpu.dma_semaphore, #tpu.memory_space<semaphore_mem>>
      %dma_start3A = arith.constant 0 : i32
      %dma_start3A_78 = arith.constant 0 : i32
      %dma_start3A_79 = tpu.memref_slice %arg6[%dma_start3A, %dma_start3A_78] : memref<5120x16xf32, #tpu.memory_space<vmem>> -> memref<4992x16xf32, #tpu.memory_space<vmem>>
      %dma_start3A_80 = arith.constant 0 : i32
      %dma_start3A_81 = tpu.memref_slice %arg4[%mul3A_58, %dma_start3A_80] : memref<160000x16xf32, #tpu.memory_space<hbm>> -> memref<4992x16xf32, #tpu.memory_space<hbm>>
      %dma_start3A_82 = arith.constant 0 : i32
      %dma_start3A_83 = tpu.memref_slice %arg4[%mul3A_58, %dma_start3A_82] : memref<160000x16xf32, #tpu.memory_space<hbm>> -> memref<4992x16xf32, #tpu.memory_space<hbm>>
      %dma_start3A_84 = arith.constant 0 : i32
      %dma_start3A_85 = arith.constant 0 : i32
      %dma_start3A_86 = tpu.memref_slice %arg6[%dma_start3A_84, %dma_start3A_85] : memref<5120x16xf32, #tpu.memory_space<vmem>> -> memref<4992x16xf32, #tpu.memory_space<vmem>>
      tpu.enqueue_dma source(%dma_start3A_86 : memref<4992x16xf32, #tpu.memory_space<vmem>>) target(%dma_start3A_83 : memref<4992x16xf32, #tpu.memory_space<hbm>>) target_semaphore(%run_scoped3A_77 : memref<!tpu.dma_semaphore, #tpu.memory_space<semaphore_mem>>)
      %dma_wait3A_87 = arith.constant 0 : i32
      %dma_wait3A_88 = arith.constant 0 : i32
      %dma_wait3A_89 = tpu.memref_slice %arg6[%dma_wait3A_87, %dma_wait3A_88] : memref<5120x16xf32, #tpu.memory_space<vmem>> -> memref<4992x16xf32, #tpu.memory_space<vmem>>
      %dma_wait3A_90 = arith.constant 0 : i32
      %dma_wait3A_91 = tpu.memref_slice %arg4[%mul3A_58, %dma_wait3A_90] : memref<160000x16xf32, #tpu.memory_space<hbm>> -> memref<4992x16xf32, #tpu.memory_space<hbm>>
      %dma_wait3A_92 = arith.constant 0 : i32
      %dma_wait3A_93 = tpu.memref_slice %arg4[%mul3A_58, %dma_wait3A_92] : memref<160000x16xf32, #tpu.memory_space<hbm>> -> memref<4992x16xf32, #tpu.memory_space<hbm>>
      %dma_wait3A_94 = arith.constant 0 : i32
      %dma_wait3A_95 = arith.constant 0 : i32
      %dma_wait3A_96 = tpu.memref_slice %arg6[%dma_wait3A_94, %dma_wait3A_95] : memref<5120x16xf32, #tpu.memory_space<vmem>> -> memref<4992x16xf32, #tpu.memory_space<vmem>>
      tpu.wait_dma2 semaphore(%run_scoped3A_77 : memref<!tpu.dma_semaphore, #tpu.memory_space<semaphore_mem>>) src(%dma_wait3A_96 : memref<4992x16xf32, #tpu.memory_space<vmem>>) dst(%dma_wait3A_93 : memref<4992x16xf32, #tpu.memory_space<hbm>>)
      tpu.yield
    }) : () -> ()
    %eq3A_72 = arith.constant 40 : i32
    %eq3A_73 = arith.cmpi eq, %sub3A_47, %eq3A_72 : i32
    %convert_element_type3A_74 = arith.extui %eq3A_73 : i1 to i32
    %cond3A_75 = arith.constant 0 : i32
    %cond3A_76 = arith.cmpi ne, %convert_element_type3A_74, %cond3A_75 : i32
    scf.if %cond3A_76 {
      %add3A_77 = arith.constant 4992 : i32
      %add3A_78 = arith.addi %mul3A_58, %add3A_77 : i32
      "tpu.region"() ({
        %run_scoped3A_79 = tpu.sem_alloc : memref<!tpu.dma_semaphore, #tpu.memory_space<semaphore_mem>>
        %dma_start3A = arith.constant 4992 : i32
        %dma_start3A_80 = arith.constant 0 : i32
        %dma_start3A_81 = tpu.memref_slice %arg6[%dma_start3A, %dma_start3A_80] : memref<5120x16xf32, #tpu.memory_space<vmem>> -> memref<128x16xf32, #tpu.memory_space<vmem>>
        %dma_start3A_82 = arith.constant 0 : i32
        %dma_start3A_83 = tpu.memref_slice %arg4[%add3A_78, %dma_start3A_82] : memref<160000x16xf32, #tpu.memory_space<hbm>> -> memref<128x16xf32, #tpu.memory_space<hbm>>
        %dma_start3A_84 = arith.constant 0 : i32
        %dma_start3A_85 = tpu.memref_slice %arg4[%add3A_78, %dma_start3A_84] : memref<160000x16xf32, #tpu.memory_space<hbm>> -> memref<128x16xf32, #tpu.memory_space<hbm>>
        %dma_start3A_86 = arith.constant 4992 : i32
        %dma_start3A_87 = arith.constant 0 : i32
        %dma_start3A_88 = tpu.memref_slice %arg6[%dma_start3A_86, %dma_start3A_87] : memref<5120x16xf32, #tpu.memory_space<vmem>> -> memref<128x16xf32, #tpu.memory_space<vmem>>
        tpu.enqueue_dma source(%dma_start3A_88 : memref<128x16xf32, #tpu.memory_space<vmem>>) target(%dma_start3A_85 : memref<128x16xf32, #tpu.memory_space<hbm>>) target_semaphore(%run_scoped3A_79 : memref<!tpu.dma_semaphore, #tpu.memory_space<semaphore_mem>>)
        %dma_wait3A_89 = arith.constant 4992 : i32
        %dma_wait3A_90 = arith.constant 0 : i32
        %dma_wait3A_91 = tpu.memref_slice %arg6[%dma_wait3A_89, %dma_wait3A_90] : memref<5120x16xf32, #tpu.memory_space<vmem>> -> memref<128x16xf32, #tpu.memory_space<vmem>>
        %dma_wait3A_92 = arith.constant 0 : i32
        %dma_wait3A_93 = tpu.memref_slice %arg4[%add3A_78, %dma_wait3A_92] : memref<160000x16xf32, #tpu.memory_space<hbm>> -> memref<128x16xf32, #tpu.memory_space<hbm>>
        %dma_wait3A_94 = arith.constant 0 : i32
        %dma_wait3A_95 = tpu.memref_slice %arg4[%add3A_78, %dma_wait3A_94] : memref<160000x16xf32, #tpu.memory_space<hbm>> -> memref<128x16xf32, #tpu.memory_space<hbm>>
        %dma_wait3A_96 = arith.constant 4992 : i32
        %dma_wait3A_97 = arith.constant 0 : i32
        %dma_wait3A_98 = tpu.memref_slice %arg6[%dma_wait3A_96, %dma_wait3A_97] : memref<5120x16xf32, #tpu.memory_space<vmem>> -> memref<128x16xf32, #tpu.memory_space<vmem>>
        tpu.wait_dma2 semaphore(%run_scoped3A_79 : memref<!tpu.dma_semaphore, #tpu.memory_space<semaphore_mem>>) src(%dma_wait3A_98 : memref<128x16xf32, #tpu.memory_space<vmem>>) dst(%dma_wait3A_95 : memref<128x16xf32, #tpu.memory_space<hbm>>)
        tpu.yield
      }) : () -> ()
    } else {
    }
    return
  }
}

#map = affine_map<(d0, d1) -> (0, 0)>
#map1 = affine_map<(d0, d1) -> (0, 0, 0)>
module attributes {stable_mosaic.version = 14 : i64} {
  func.func @_scatter_body(%arg0: i32, %arg1: i32, %arg2: memref<160000x40xf32, #tpu.memory_space<hbm>>, %arg3: memref<2x1250x128xi32, #tpu.memory_space<hbm>>, %arg4: memref<10240x40xf32, #tpu.memory_space<hbm>>, %arg5: memref<20480x40xf32, #tpu.memory_space<hbm>>, %arg6: memref<40x128xi32, #tpu.memory_space<vmem>>, %arg7: memref<2x128x40xf32, #tpu.memory_space<vmem>>, %arg8: memref<10240x40xf32, #tpu.memory_space<vmem_shared>>, %arg9: memref<!tpu.dma_semaphore, #tpu.memory_space<semaphore_mem>>, %arg10: memref<!tpu.dma_semaphore, #tpu.memory_space<semaphore_mem>>) attributes {dimension_semantics = [#tpu.dimension_semantics<core_parallel>, #tpu.dimension_semantics<subcore_parallel>], iteration_bounds = array<i64: 2, 16>, scalar_prefetch = 0 : i64, scratch_operands = 5 : i64, tpu.core_type = #tpu.core_type<sc_vector_subcore>, window_params = [{transform_indices = #map}, {transform_indices = #map1}, {transform_indices = #map}, {transform_indices = #map}]} {
    %mul3A = arith.constant 2 : i32
    %mul3A_0 = arith.muli %arg1, %mul3A : i32
    %add3A = arith.addi %mul3A_0, %arg0 : i32
    %mul3A_1 = arith.constant 1250 : i32
    %mul3A_2 = arith.muli %add3A, %mul3A_1 : i32
    %jit3A = arith.constant 32 : i32
    %div3A = arith.divsi %mul3A_2, %jit3A : i32
    %sign3A = arith.constant 0 : i32
    %sign3A_3 = arith.cmpi sgt, %mul3A_2, %sign3A : i32
    %sign3A_4 = arith.extui %sign3A_3 : i1 to i32
    %sign3A_5 = arith.constant 0 : i32
    %sign3A_6 = arith.cmpi slt, %mul3A_2, %sign3A_5 : i32
    %sign3A_7 = arith.extui %sign3A_6 : i1 to i32
    %sign3A_8 = arith.subi %sign3A_4, %sign3A_7 : i32
    %sign3A_9 = arith.constant 0 : i32
    %sign3A_10 = arith.cmpi sgt, %jit3A, %sign3A_9 : i32
    %sign3A_11 = arith.extui %sign3A_10 : i1 to i32
    %sign3A_12 = arith.constant 0 : i32
    %sign3A_13 = arith.cmpi slt, %jit3A, %sign3A_12 : i32
    %sign3A_14 = arith.extui %sign3A_13 : i1 to i32
    %sign3A_15 = arith.subi %sign3A_11, %sign3A_14 : i32
    %ne3A = arith.cmpi ne, %sign3A_8, %sign3A_15 : i32
    %rem3A = arith.remsi %mul3A_2, %jit3A : i32
    %ne3A_16 = arith.constant 0 : i32
    %ne3A_17 = arith.cmpi ne, %rem3A, %ne3A_16 : i32
    %and3A = arith.andi %ne3A, %ne3A_17 : i1
    %sub3A = arith.constant 1 : i32
    %sub3A_18 = arith.subi %div3A, %sub3A : i32
    %select_n3A = arith.select %and3A, %sub3A_18, %div3A : i32
    %add3A_19 = arith.constant 1 : i32
    %add3A_20 = arith.addi %add3A, %add3A_19 : i32
    %mul3A_21 = arith.constant 1250 : i32
    %mul3A_22 = arith.muli %add3A_20, %mul3A_21 : i32
    %jit3A_23 = arith.constant 32 : i32
    %div3A_24 = arith.divsi %mul3A_22, %jit3A_23 : i32
    %sign3A_25 = arith.constant 0 : i32
    %sign3A_26 = arith.cmpi sgt, %mul3A_22, %sign3A_25 : i32
    %sign3A_27 = arith.extui %sign3A_26 : i1 to i32
    %sign3A_28 = arith.constant 0 : i32
    %sign3A_29 = arith.cmpi slt, %mul3A_22, %sign3A_28 : i32
    %sign3A_30 = arith.extui %sign3A_29 : i1 to i32
    %sign3A_31 = arith.subi %sign3A_27, %sign3A_30 : i32
    %sign3A_32 = arith.constant 0 : i32
    %sign3A_33 = arith.cmpi sgt, %jit3A_23, %sign3A_32 : i32
    %sign3A_34 = arith.extui %sign3A_33 : i1 to i32
    %sign3A_35 = arith.constant 0 : i32
    %sign3A_36 = arith.cmpi slt, %jit3A_23, %sign3A_35 : i32
    %sign3A_37 = arith.extui %sign3A_36 : i1 to i32
    %sign3A_38 = arith.subi %sign3A_34, %sign3A_37 : i32
    %ne3A_39 = arith.cmpi ne, %sign3A_31, %sign3A_38 : i32
    %rem3A_40 = arith.remsi %mul3A_22, %jit3A_23 : i32
    %ne3A_41 = arith.constant 0 : i32
    %ne3A_42 = arith.cmpi ne, %rem3A_40, %ne3A_41 : i32
    %and3A_43 = arith.andi %ne3A_39, %ne3A_42 : i1
    %sub3A_44 = arith.constant 1 : i32
    %sub3A_45 = arith.subi %div3A_24, %sub3A_44 : i32
    %select_n3A_46 = arith.select %and3A_43, %sub3A_45, %div3A_24 : i32
    %sub3A_47 = arith.subi %select_n3A_46, %select_n3A : i32
    %run_scoped3A = arith.constant 0 : i32
    "tpu.region"() ({
      %run_scoped3A_85 = tpu.sem_alloc : memref<!tpu.dma_semaphore, #tpu.memory_space<semaphore_mem>>
      %dma_start3A_86 = arith.constant 0 : i32
      %dma_start3A_87 = tpu.memref_slice %arg3[%run_scoped3A, %select_n3A, %dma_start3A_86] : memref<2x1250x128xi32, #tpu.memory_space<hbm>> -> memref<1x40x128xi32, #tpu.memory_space<hbm>>
      %dma_start3A_88 = tpu.memref_squeeze %dma_start3A_87 : memref<1x40x128xi32, #tpu.memory_space<hbm>> -> memref<40x128xi32, #tpu.memory_space<hbm>>
      %dma_start3A_89 = arith.constant 0 : i32
      %dma_start3A_90 = tpu.memref_slice %arg3[%run_scoped3A, %select_n3A, %dma_start3A_89] : memref<2x1250x128xi32, #tpu.memory_space<hbm>> -> memref<1x40x128xi32, #tpu.memory_space<hbm>>
      %dma_start3A_91 = tpu.memref_squeeze %dma_start3A_90 : memref<1x40x128xi32, #tpu.memory_space<hbm>> -> memref<40x128xi32, #tpu.memory_space<hbm>>
      tpu.enqueue_dma source(%dma_start3A_91 : memref<40x128xi32, #tpu.memory_space<hbm>>) target(%arg6 : memref<40x128xi32, #tpu.memory_space<vmem>>) target_semaphore(%run_scoped3A_85 : memref<!tpu.dma_semaphore, #tpu.memory_space<semaphore_mem>>)
      %dma_wait3A = arith.constant 0 : i32
      %dma_wait3A_92 = tpu.memref_slice %arg3[%run_scoped3A, %select_n3A, %dma_wait3A] : memref<2x1250x128xi32, #tpu.memory_space<hbm>> -> memref<1x40x128xi32, #tpu.memory_space<hbm>>
      %dma_wait3A_93 = tpu.memref_squeeze %dma_wait3A_92 : memref<1x40x128xi32, #tpu.memory_space<hbm>> -> memref<40x128xi32, #tpu.memory_space<hbm>>
      %dma_wait3A_94 = arith.constant 0 : i32
      %dma_wait3A_95 = tpu.memref_slice %arg3[%run_scoped3A, %select_n3A, %dma_wait3A_94] : memref<2x1250x128xi32, #tpu.memory_space<hbm>> -> memref<1x40x128xi32, #tpu.memory_space<hbm>>
      %dma_wait3A_96 = tpu.memref_squeeze %dma_wait3A_95 : memref<1x40x128xi32, #tpu.memory_space<hbm>> -> memref<40x128xi32, #tpu.memory_space<hbm>>
      tpu.wait_dma2 semaphore(%run_scoped3A_85 : memref<!tpu.dma_semaphore, #tpu.memory_space<semaphore_mem>>) src(%dma_wait3A_96 : memref<40x128xi32, #tpu.memory_space<hbm>>) dst(%arg6 : memref<40x128xi32, #tpu.memory_space<vmem>>)
      tpu.yield
    }) : () -> ()
    %mul3A_48 = arith.constant 640 : i32
    %mul3A_49 = arith.muli %arg1, %mul3A_48 : i32
    %mul3A_50 = arith.constant 640 : i32
    %mul3A_51 = arith.muli %arg1, %mul3A_50 : i32
    "tpu.region"() ({
      %run_scoped3A_85 = tpu.sem_alloc : memref<!tpu.dma_semaphore, #tpu.memory_space<semaphore_mem>>
      %dma_start3A_86 = arith.constant 0 : i32
      %dma_start3A_87 = tpu.memref_slice %arg8[%mul3A_51, %dma_start3A_86] : memref<10240x40xf32, #tpu.memory_space<vmem_shared>> -> memref<640x40xf32, #tpu.memory_space<vmem_shared>>
      %dma_start3A_88 = arith.constant 0 : i32
      %dma_start3A_89 = tpu.memref_slice %arg4[%mul3A_49, %dma_start3A_88] : memref<10240x40xf32, #tpu.memory_space<hbm>> -> memref<640x40xf32, #tpu.memory_space<hbm>>
      tpu.enqueue_dma source(%dma_start3A_89 : memref<640x40xf32, #tpu.memory_space<hbm>>) target(%dma_start3A_87 : memref<640x40xf32, #tpu.memory_space<vmem_shared>>) target_semaphore(%run_scoped3A_85 : memref<!tpu.dma_semaphore, #tpu.memory_space<semaphore_mem>>)
      %dma_wait3A = arith.constant 0 : i32
      %dma_wait3A_90 = tpu.memref_slice %arg8[%mul3A_51, %dma_wait3A] : memref<10240x40xf32, #tpu.memory_space<vmem_shared>> -> memref<640x40xf32, #tpu.memory_space<vmem_shared>>
      %dma_wait3A_91 = arith.constant 0 : i32
      %dma_wait3A_92 = tpu.memref_slice %arg4[%mul3A_49, %dma_wait3A_91] : memref<10240x40xf32, #tpu.memory_space<hbm>> -> memref<640x40xf32, #tpu.memory_space<hbm>>
      tpu.wait_dma2 semaphore(%run_scoped3A_85 : memref<!tpu.dma_semaphore, #tpu.memory_space<semaphore_mem>>) src(%dma_wait3A_92 : memref<640x40xf32, #tpu.memory_space<hbm>>) dst(%dma_wait3A_90 : memref<640x40xf32, #tpu.memory_space<vmem_shared>>)
      tpu.yield
    }) : () -> ()
    %barrier3A = arith.constant 0 : index
    tpu.barrier barrier_id(%barrier3A)
    %add3A_52 = arith.constant 0 : i32
    %add3A_53 = arith.addi %select_n3A, %add3A_52 : i32
    %mul3A_54 = arith.constant 128 : i32
    %mul3A_55 = arith.muli %add3A_53, %mul3A_54 : i32
    %dma_start3A = arith.constant 0 : i32
    %dma_start3A_56 = arith.constant 0 : i32
    %dma_start3A_57 = arith.constant 0 : i32
    %dma_start3A_58 = tpu.memref_slice %arg7[%dma_start3A, %dma_start3A_56, %dma_start3A_57] : memref<2x128x40xf32, #tpu.memory_space<vmem>> -> memref<1x128x40xf32, #tpu.memory_space<vmem>>
    %dma_start3A_59 = tpu.memref_squeeze %dma_start3A_58 : memref<1x128x40xf32, #tpu.memory_space<vmem>> -> memref<128x40xf32, #tpu.memory_space<vmem>>
    %dma_start3A_60 = arith.constant 0 : i32
    %dma_start3A_61 = tpu.memref_slice %arg2[%mul3A_55, %dma_start3A_60] : memref<160000x40xf32, #tpu.memory_space<hbm>> -> memref<128x40xf32, #tpu.memory_space<hbm>>
    %dma_start3A_62 = arith.constant 0 : i32
    %dma_start3A_63 = arith.constant 0 : i32
    %dma_start3A_64 = tpu.memref_slice %arg7[%dma_start3A, %dma_start3A_62, %dma_start3A_63] : memref<2x128x40xf32, #tpu.memory_space<vmem>> -> memref<1x128x40xf32, #tpu.memory_space<vmem>>
    %dma_start3A_65 = tpu.memref_squeeze %dma_start3A_64 : memref<1x128x40xf32, #tpu.memory_space<vmem>> -> memref<128x40xf32, #tpu.memory_space<vmem>>
    %dma_start3A_66 = arith.constant 0 : i32
    %dma_start3A_67 = tpu.memref_slice %arg2[%mul3A_55, %dma_start3A_66] : memref<160000x40xf32, #tpu.memory_space<hbm>> -> memref<128x40xf32, #tpu.memory_space<hbm>>
    tpu.enqueue_dma source(%dma_start3A_67 : memref<128x40xf32, #tpu.memory_space<hbm>>) target(%dma_start3A_65 : memref<128x40xf32, #tpu.memory_space<vmem>>) target_semaphore(%arg9 : memref<!tpu.dma_semaphore, #tpu.memory_space<semaphore_mem>>)
    %while3A = arith.constant 0 : i32
    %while3A_68 = arith.constant 0 : i32
    %while3A_69 = arith.subi %sub3A_47, %while3A_68 : i32
    %while3A_70 = arith.addi %while3A_68, %while3A_69 : i32
    %while3A_71 = arith.constant 1 : i32
    %while3A_72 = arith.divsi %while3A_69, %while3A_71 : i32
    %while3A_73 = arith.muli %while3A_72, %while3A_71 : i32
    %while3A_74 = arith.addi %while3A_68, %while3A_73 : i32
    %while3A_75 = arith.constant 1 : i32
    scf.for %while3A_85 = %while3A_68 to %while3A_74 step %while3A_75  : i32 {
      %rem3A_86 = arith.constant 2 : i32
      %rem3A_87 = arith.remsi %while3A_85, %rem3A_86 : i32
      %add3A_88 = arith.constant 1 : i32
      %add3A_89 = arith.addi %while3A_85, %add3A_88 : i32
      %lt3A = arith.cmpi slt, %add3A_89, %sub3A_47 : i32
      %convert_element_type3A = arith.extui %lt3A : i1 to i32
      %cond3A = arith.constant 0 : i32
      %cond3A_90 = arith.cmpi ne, %convert_element_type3A, %cond3A : i32
      scf.if %cond3A_90 {
        %eq3A_100 = arith.constant 0 : i32
        %eq3A_101 = arith.cmpi eq, %rem3A_87, %eq3A_100 : i32
        %convert_element_type3A_102 = arith.extui %eq3A_101 : i1 to i32
        %cond3A_103 = arith.constant 0 : i32
        %cond3A_104 = arith.cmpi ne, %convert_element_type3A_102, %cond3A_103 : i32
        scf.if %cond3A_104 {
          %add3A_110 = arith.constant 1 : i32
          %add3A_111 = arith.addi %while3A_85, %add3A_110 : i32
          %add3A_112 = arith.addi %select_n3A, %add3A_111 : i32
          %mul3A_113 = arith.constant 128 : i32
          %mul3A_114 = arith.muli %add3A_112, %mul3A_113 : i32
          %dma_start3A_115 = arith.constant 1 : i32
          %dma_start3A_116 = arith.constant 0 : i32
          %dma_start3A_117 = arith.constant 0 : i32
          %dma_start3A_118 = tpu.memref_slice %arg7[%dma_start3A_115, %dma_start3A_116, %dma_start3A_117] : memref<2x128x40xf32, #tpu.memory_space<vmem>> -> memref<1x128x40xf32, #tpu.memory_space<vmem>>
          %dma_start3A_119 = tpu.memref_squeeze %dma_start3A_118 : memref<1x128x40xf32, #tpu.memory_space<vmem>> -> memref<128x40xf32, #tpu.memory_space<vmem>>
          %dma_start3A_120 = arith.constant 0 : i32
          %dma_start3A_121 = tpu.memref_slice %arg2[%mul3A_114, %dma_start3A_120] : memref<160000x40xf32, #tpu.memory_space<hbm>> -> memref<128x40xf32, #tpu.memory_space<hbm>>
          %dma_start3A_122 = arith.constant 0 : i32
          %dma_start3A_123 = arith.constant 0 : i32
          %dma_start3A_124 = tpu.memref_slice %arg7[%dma_start3A_115, %dma_start3A_122, %dma_start3A_123] : memref<2x128x40xf32, #tpu.memory_space<vmem>> -> memref<1x128x40xf32, #tpu.memory_space<vmem>>
          %dma_start3A_125 = tpu.memref_squeeze %dma_start3A_124 : memref<1x128x40xf32, #tpu.memory_space<vmem>> -> memref<128x40xf32, #tpu.memory_space<vmem>>
          %dma_start3A_126 = arith.constant 0 : i32
          %dma_start3A_127 = tpu.memref_slice %arg2[%mul3A_114, %dma_start3A_126] : memref<160000x40xf32, #tpu.memory_space<hbm>> -> memref<128x40xf32, #tpu.memory_space<hbm>>
          tpu.enqueue_dma source(%dma_start3A_127 : memref<128x40xf32, #tpu.memory_space<hbm>>) target(%dma_start3A_125 : memref<128x40xf32, #tpu.memory_space<vmem>>) target_semaphore(%arg10 : memref<!tpu.dma_semaphore, #tpu.memory_space<semaphore_mem>>)
        } else {
        }
        %eq3A_105 = arith.constant 1 : i32
        %eq3A_106 = arith.cmpi eq, %rem3A_87, %eq3A_105 : i32
        %convert_element_type3A_107 = arith.extui %eq3A_106 : i1 to i32
        %cond3A_108 = arith.constant 0 : i32
        %cond3A_109 = arith.cmpi ne, %convert_element_type3A_107, %cond3A_108 : i32
        scf.if %cond3A_109 {
          %add3A_110 = arith.constant 1 : i32
          %add3A_111 = arith.addi %while3A_85, %add3A_110 : i32
          %add3A_112 = arith.addi %select_n3A, %add3A_111 : i32
          %mul3A_113 = arith.constant 128 : i32
          %mul3A_114 = arith.muli %add3A_112, %mul3A_113 : i32
          %dma_start3A_115 = arith.constant 0 : i32
          %dma_start3A_116 = arith.constant 0 : i32
          %dma_start3A_117 = arith.constant 0 : i32
          %dma_start3A_118 = tpu.memref_slice %arg7[%dma_start3A_115, %dma_start3A_116, %dma_start3A_117] : memref<2x128x40xf32, #tpu.memory_space<vmem>> -> memref<1x128x40xf32, #tpu.memory_space<vmem>>
          %dma_start3A_119 = tpu.memref_squeeze %dma_start3A_118 : memref<1x128x40xf32, #tpu.memory_space<vmem>> -> memref<128x40xf32, #tpu.memory_space<vmem>>
          %dma_start3A_120 = arith.constant 0 : i32
          %dma_start3A_121 = tpu.memref_slice %arg2[%mul3A_114, %dma_start3A_120] : memref<160000x40xf32, #tpu.memory_space<hbm>> -> memref<128x40xf32, #tpu.memory_space<hbm>>
          %dma_start3A_122 = arith.constant 0 : i32
          %dma_start3A_123 = arith.constant 0 : i32
          %dma_start3A_124 = tpu.memref_slice %arg7[%dma_start3A_115, %dma_start3A_122, %dma_start3A_123] : memref<2x128x40xf32, #tpu.memory_space<vmem>> -> memref<1x128x40xf32, #tpu.memory_space<vmem>>
          %dma_start3A_125 = tpu.memref_squeeze %dma_start3A_124 : memref<1x128x40xf32, #tpu.memory_space<vmem>> -> memref<128x40xf32, #tpu.memory_space<vmem>>
          %dma_start3A_126 = arith.constant 0 : i32
          %dma_start3A_127 = tpu.memref_slice %arg2[%mul3A_114, %dma_start3A_126] : memref<160000x40xf32, #tpu.memory_space<hbm>> -> memref<128x40xf32, #tpu.memory_space<hbm>>
          tpu.enqueue_dma source(%dma_start3A_127 : memref<128x40xf32, #tpu.memory_space<hbm>>) target(%dma_start3A_125 : memref<128x40xf32, #tpu.memory_space<vmem>>) target_semaphore(%arg9 : memref<!tpu.dma_semaphore, #tpu.memory_space<semaphore_mem>>)
        } else {
        }
      } else {
      }
      %eq3A = arith.constant 0 : i32
      %eq3A_91 = arith.cmpi eq, %rem3A_87, %eq3A : i32
      %convert_element_type3A_92 = arith.extui %eq3A_91 : i1 to i32
      %cond3A_93 = arith.constant 0 : i32
      %cond3A_94 = arith.cmpi ne, %convert_element_type3A_92, %cond3A_93 : i32
      scf.if %cond3A_94 {
        %dma_wait3A = arith.constant 0 : i32
        %dma_wait3A_100 = arith.constant 0 : i32
        %dma_wait3A_101 = arith.constant 0 : i32
        %dma_wait3A_102 = tpu.memref_slice %arg7[%dma_wait3A, %dma_wait3A_100, %dma_wait3A_101] : memref<2x128x40xf32, #tpu.memory_space<vmem>> -> memref<1x128x40xf32, #tpu.memory_space<vmem>>
        %dma_wait3A_103 = tpu.memref_squeeze %dma_wait3A_102 : memref<1x128x40xf32, #tpu.memory_space<vmem>> -> memref<128x40xf32, #tpu.memory_space<vmem>>
        %dma_wait3A_104 = arith.constant 0 : i32
        %dma_wait3A_105 = arith.constant 0 : i32
        %dma_wait3A_106 = tpu.memref_slice %arg2[%dma_wait3A_104, %dma_wait3A_105] : memref<160000x40xf32, #tpu.memory_space<hbm>> -> memref<128x40xf32, #tpu.memory_space<hbm>>
        %dma_wait3A_107 = arith.constant 0 : i32
        %dma_wait3A_108 = arith.constant 0 : i32
        %dma_wait3A_109 = tpu.memref_slice %arg7[%dma_wait3A, %dma_wait3A_107, %dma_wait3A_108] : memref<2x128x40xf32, #tpu.memory_space<vmem>> -> memref<1x128x40xf32, #tpu.memory_space<vmem>>
        %dma_wait3A_110 = tpu.memref_squeeze %dma_wait3A_109 : memref<1x128x40xf32, #tpu.memory_space<vmem>> -> memref<128x40xf32, #tpu.memory_space<vmem>>
        %dma_wait3A_111 = arith.constant 0 : i32
        %dma_wait3A_112 = arith.constant 0 : i32
        %dma_wait3A_113 = tpu.memref_slice %arg2[%dma_wait3A_111, %dma_wait3A_112] : memref<160000x40xf32, #tpu.memory_space<hbm>> -> memref<128x40xf32, #tpu.memory_space<hbm>>
        tpu.wait_dma2 semaphore(%arg9 : memref<!tpu.dma_semaphore, #tpu.memory_space<semaphore_mem>>) src(%dma_wait3A_113 : memref<128x40xf32, #tpu.memory_space<hbm>>) dst(%dma_wait3A_110 : memref<128x40xf32, #tpu.memory_space<vmem>>)
        %run_scoped3A_114 = arith.constant 0 : i32
        "tpu.region"() ({
          %run_scoped3A_115 = tpu.sem_alloc : memref<!tpu.dma_semaphore, #tpu.memory_space<semaphore_mem>>
          %dma_start3A_116 = arith.constant 0 : i32
          %dma_start3A_117 = arith.constant 0 : i32
          %dma_start3A_118 = tpu.memref_slice %arg7[%run_scoped3A_114, %dma_start3A_116, %dma_start3A_117] : memref<2x128x40xf32, #tpu.memory_space<vmem>> -> memref<1x128x40xf32, #tpu.memory_space<vmem>>
          %dma_start3A_119 = tpu.memref_squeeze %dma_start3A_118 : memref<1x128x40xf32, #tpu.memory_space<vmem>> -> memref<128x40xf32, #tpu.memory_space<vmem>>
          %dma_start3A_120 = arith.constant 0 : i32
          %dma_start3A_121 = tpu.memref_slice %arg6[%while3A_85, %dma_start3A_120] : memref<40x128xi32, #tpu.memory_space<vmem>> -> memref<1x128xi32, #tpu.memory_space<vmem>>
          %dma_start3A_122 = tpu.memref_squeeze %dma_start3A_121 : memref<1x128xi32, #tpu.memory_space<vmem>> -> memref<128xi32, #tpu.memory_space<vmem>>
          %dma_start3A_123 = arith.constant 0 : i32
          %dma_start3A_124 = arith.constant 0 : i32
          %dma_start3A_125 = tpu.memref_slice %arg8[%dma_start3A_123, %dma_start3A_124] : memref<10240x40xf32, #tpu.memory_space<vmem_shared>> -> memref<10240x40xf32, #tpu.memory_space<vmem_shared>>
          tpu.enqueue_indirect_dma source(%dma_start3A_119 : memref<128x40xf32, #tpu.memory_space<vmem>>) target(%dma_start3A_125 : memref<10240x40xf32, #tpu.memory_space<vmem_shared>>) offsets(%dma_start3A_122 : memref<128xi32, #tpu.memory_space<vmem>>) semaphore(%run_scoped3A_115 : memref<!tpu.dma_semaphore, #tpu.memory_space<semaphore_mem>>) {add = true}
          %dma_wait3A_126 = arith.constant 0 : i32
          %dma_wait3A_127 = arith.constant 0 : i32
          %dma_wait3A_128 = tpu.memref_slice %arg7[%run_scoped3A_114, %dma_wait3A_126, %dma_wait3A_127] : memref<2x128x40xf32, #tpu.memory_space<vmem>> -> memref<1x128x40xf32, #tpu.memory_space<vmem>>
          %dma_wait3A_129 = tpu.memref_squeeze %dma_wait3A_128 : memref<1x128x40xf32, #tpu.memory_space<vmem>> -> memref<128x40xf32, #tpu.memory_space<vmem>>
          %dma_wait3A_130 = arith.constant 0 : i32
          %dma_wait3A_131 = tpu.memref_slice %arg6[%while3A_85, %dma_wait3A_130] : memref<40x128xi32, #tpu.memory_space<vmem>> -> memref<1x128xi32, #tpu.memory_space<vmem>>
          %dma_wait3A_132 = tpu.memref_squeeze %dma_wait3A_131 : memref<1x128xi32, #tpu.memory_space<vmem>> -> memref<128xi32, #tpu.memory_space<vmem>>
          %dma_wait3A_133 = arith.constant 0 : i32
          %dma_wait3A_134 = arith.constant 0 : i32
          %dma_wait3A_135 = tpu.memref_slice %arg8[%dma_wait3A_133, %dma_wait3A_134] : memref<10240x40xf32, #tpu.memory_space<vmem_shared>> -> memref<10240x40xf32, #tpu.memory_space<vmem_shared>>
          tpu.wait_indirect_dma semaphore(%run_scoped3A_115 : memref<!tpu.dma_semaphore, #tpu.memory_space<semaphore_mem>>) src(%dma_wait3A_129 : memref<128x40xf32, #tpu.memory_space<vmem>>) dst(%dma_wait3A_135 : memref<10240x40xf32, #tpu.memory_space<vmem_shared>>)
          tpu.yield
        }) : () -> ()
      } else {
      }
      %eq3A_95 = arith.constant 1 : i32
      %eq3A_96 = arith.cmpi eq, %rem3A_87, %eq3A_95 : i32
      %convert_element_type3A_97 = arith.extui %eq3A_96 : i1 to i32
      %cond3A_98 = arith.constant 0 : i32
      %cond3A_99 = arith.cmpi ne, %convert_element_type3A_97, %cond3A_98 : i32
      scf.if %cond3A_99 {
        %dma_wait3A = arith.constant 1 : i32
        %dma_wait3A_100 = arith.constant 0 : i32
        %dma_wait3A_101 = arith.constant 0 : i32
        %dma_wait3A_102 = tpu.memref_slice %arg7[%dma_wait3A, %dma_wait3A_100, %dma_wait3A_101] : memref<2x128x40xf32, #tpu.memory_space<vmem>> -> memref<1x128x40xf32, #tpu.memory_space<vmem>>
        %dma_wait3A_103 = tpu.memref_squeeze %dma_wait3A_102 : memref<1x128x40xf32, #tpu.memory_space<vmem>> -> memref<128x40xf32, #tpu.memory_space<vmem>>
        %dma_wait3A_104 = arith.constant 0 : i32
        %dma_wait3A_105 = arith.constant 0 : i32
        %dma_wait3A_106 = tpu.memref_slice %arg2[%dma_wait3A_104, %dma_wait3A_105] : memref<160000x40xf32, #tpu.memory_space<hbm>> -> memref<128x40xf32, #tpu.memory_space<hbm>>
        %dma_wait3A_107 = arith.constant 0 : i32
        %dma_wait3A_108 = arith.constant 0 : i32
        %dma_wait3A_109 = tpu.memref_slice %arg7[%dma_wait3A, %dma_wait3A_107, %dma_wait3A_108] : memref<2x128x40xf32, #tpu.memory_space<vmem>> -> memref<1x128x40xf32, #tpu.memory_space<vmem>>
        %dma_wait3A_110 = tpu.memref_squeeze %dma_wait3A_109 : memref<1x128x40xf32, #tpu.memory_space<vmem>> -> memref<128x40xf32, #tpu.memory_space<vmem>>
        %dma_wait3A_111 = arith.constant 0 : i32
        %dma_wait3A_112 = arith.constant 0 : i32
        %dma_wait3A_113 = tpu.memref_slice %arg2[%dma_wait3A_111, %dma_wait3A_112] : memref<160000x40xf32, #tpu.memory_space<hbm>> -> memref<128x40xf32, #tpu.memory_space<hbm>>
        tpu.wait_dma2 semaphore(%arg10 : memref<!tpu.dma_semaphore, #tpu.memory_space<semaphore_mem>>) src(%dma_wait3A_113 : memref<128x40xf32, #tpu.memory_space<hbm>>) dst(%dma_wait3A_110 : memref<128x40xf32, #tpu.memory_space<vmem>>)
        %run_scoped3A_114 = arith.constant 1 : i32
        "tpu.region"() ({
          %run_scoped3A_115 = tpu.sem_alloc : memref<!tpu.dma_semaphore, #tpu.memory_space<semaphore_mem>>
          %dma_start3A_116 = arith.constant 0 : i32
          %dma_start3A_117 = arith.constant 0 : i32
          %dma_start3A_118 = tpu.memref_slice %arg7[%run_scoped3A_114, %dma_start3A_116, %dma_start3A_117] : memref<2x128x40xf32, #tpu.memory_space<vmem>> -> memref<1x128x40xf32, #tpu.memory_space<vmem>>
          %dma_start3A_119 = tpu.memref_squeeze %dma_start3A_118 : memref<1x128x40xf32, #tpu.memory_space<vmem>> -> memref<128x40xf32, #tpu.memory_space<vmem>>
          %dma_start3A_120 = arith.constant 0 : i32
          %dma_start3A_121 = tpu.memref_slice %arg6[%while3A_85, %dma_start3A_120] : memref<40x128xi32, #tpu.memory_space<vmem>> -> memref<1x128xi32, #tpu.memory_space<vmem>>
          %dma_start3A_122 = tpu.memref_squeeze %dma_start3A_121 : memref<1x128xi32, #tpu.memory_space<vmem>> -> memref<128xi32, #tpu.memory_space<vmem>>
          %dma_start3A_123 = arith.constant 0 : i32
          %dma_start3A_124 = arith.constant 0 : i32
          %dma_start3A_125 = tpu.memref_slice %arg8[%dma_start3A_123, %dma_start3A_124] : memref<10240x40xf32, #tpu.memory_space<vmem_shared>> -> memref<10240x40xf32, #tpu.memory_space<vmem_shared>>
          tpu.enqueue_indirect_dma source(%dma_start3A_119 : memref<128x40xf32, #tpu.memory_space<vmem>>) target(%dma_start3A_125 : memref<10240x40xf32, #tpu.memory_space<vmem_shared>>) offsets(%dma_start3A_122 : memref<128xi32, #tpu.memory_space<vmem>>) semaphore(%run_scoped3A_115 : memref<!tpu.dma_semaphore, #tpu.memory_space<semaphore_mem>>) {add = true}
          %dma_wait3A_126 = arith.constant 0 : i32
          %dma_wait3A_127 = arith.constant 0 : i32
          %dma_wait3A_128 = tpu.memref_slice %arg7[%run_scoped3A_114, %dma_wait3A_126, %dma_wait3A_127] : memref<2x128x40xf32, #tpu.memory_space<vmem>> -> memref<1x128x40xf32, #tpu.memory_space<vmem>>
          %dma_wait3A_129 = tpu.memref_squeeze %dma_wait3A_128 : memref<1x128x40xf32, #tpu.memory_space<vmem>> -> memref<128x40xf32, #tpu.memory_space<vmem>>
          %dma_wait3A_130 = arith.constant 0 : i32
          %dma_wait3A_131 = tpu.memref_slice %arg6[%while3A_85, %dma_wait3A_130] : memref<40x128xi32, #tpu.memory_space<vmem>> -> memref<1x128xi32, #tpu.memory_space<vmem>>
          %dma_wait3A_132 = tpu.memref_squeeze %dma_wait3A_131 : memref<1x128xi32, #tpu.memory_space<vmem>> -> memref<128xi32, #tpu.memory_space<vmem>>
          %dma_wait3A_133 = arith.constant 0 : i32
          %dma_wait3A_134 = arith.constant 0 : i32
          %dma_wait3A_135 = tpu.memref_slice %arg8[%dma_wait3A_133, %dma_wait3A_134] : memref<10240x40xf32, #tpu.memory_space<vmem_shared>> -> memref<10240x40xf32, #tpu.memory_space<vmem_shared>>
          tpu.wait_indirect_dma semaphore(%run_scoped3A_115 : memref<!tpu.dma_semaphore, #tpu.memory_space<semaphore_mem>>) src(%dma_wait3A_129 : memref<128x40xf32, #tpu.memory_space<vmem>>) dst(%dma_wait3A_135 : memref<10240x40xf32, #tpu.memory_space<vmem_shared>>)
          tpu.yield
        }) : () -> ()
      } else {
      }
    }
    %while3A_76 = arith.constant 1 : i32
    scf.for %while3A_85 = %while3A_74 to %while3A_70 step %while3A_76  : i32 {
      %rem3A_86 = arith.constant 2 : i32
      %rem3A_87 = arith.remsi %while3A_85, %rem3A_86 : i32
      %add3A_88 = arith.constant 1 : i32
      %add3A_89 = arith.addi %while3A_85, %add3A_88 : i32
      %lt3A = arith.cmpi slt, %add3A_89, %sub3A_47 : i32
      %convert_element_type3A = arith.extui %lt3A : i1 to i32
      %cond3A = arith.constant 0 : i32
      %cond3A_90 = arith.cmpi ne, %convert_element_type3A, %cond3A : i32
      scf.if %cond3A_90 {
        %eq3A_100 = arith.constant 0 : i32
        %eq3A_101 = arith.cmpi eq, %rem3A_87, %eq3A_100 : i32
        %convert_element_type3A_102 = arith.extui %eq3A_101 : i1 to i32
        %cond3A_103 = arith.constant 0 : i32
        %cond3A_104 = arith.cmpi ne, %convert_element_type3A_102, %cond3A_103 : i32
        scf.if %cond3A_104 {
          %add3A_110 = arith.constant 1 : i32
          %add3A_111 = arith.addi %while3A_85, %add3A_110 : i32
          %add3A_112 = arith.addi %select_n3A, %add3A_111 : i32
          %mul3A_113 = arith.constant 128 : i32
          %mul3A_114 = arith.muli %add3A_112, %mul3A_113 : i32
          %dma_start3A_115 = arith.constant 1 : i32
          %dma_start3A_116 = arith.constant 0 : i32
          %dma_start3A_117 = arith.constant 0 : i32
          %dma_start3A_118 = tpu.memref_slice %arg7[%dma_start3A_115, %dma_start3A_116, %dma_start3A_117] : memref<2x128x40xf32, #tpu.memory_space<vmem>> -> memref<1x128x40xf32, #tpu.memory_space<vmem>>
          %dma_start3A_119 = tpu.memref_squeeze %dma_start3A_118 : memref<1x128x40xf32, #tpu.memory_space<vmem>> -> memref<128x40xf32, #tpu.memory_space<vmem>>
          %dma_start3A_120 = arith.constant 0 : i32
          %dma_start3A_121 = tpu.memref_slice %arg2[%mul3A_114, %dma_start3A_120] : memref<160000x40xf32, #tpu.memory_space<hbm>> -> memref<128x40xf32, #tpu.memory_space<hbm>>
          %dma_start3A_122 = arith.constant 0 : i32
          %dma_start3A_123 = arith.constant 0 : i32
          %dma_start3A_124 = tpu.memref_slice %arg7[%dma_start3A_115, %dma_start3A_122, %dma_start3A_123] : memref<2x128x40xf32, #tpu.memory_space<vmem>> -> memref<1x128x40xf32, #tpu.memory_space<vmem>>
          %dma_start3A_125 = tpu.memref_squeeze %dma_start3A_124 : memref<1x128x40xf32, #tpu.memory_space<vmem>> -> memref<128x40xf32, #tpu.memory_space<vmem>>
          %dma_start3A_126 = arith.constant 0 : i32
          %dma_start3A_127 = tpu.memref_slice %arg2[%mul3A_114, %dma_start3A_126] : memref<160000x40xf32, #tpu.memory_space<hbm>> -> memref<128x40xf32, #tpu.memory_space<hbm>>
          tpu.enqueue_dma source(%dma_start3A_127 : memref<128x40xf32, #tpu.memory_space<hbm>>) target(%dma_start3A_125 : memref<128x40xf32, #tpu.memory_space<vmem>>) target_semaphore(%arg10 : memref<!tpu.dma_semaphore, #tpu.memory_space<semaphore_mem>>)
        } else {
        }
        %eq3A_105 = arith.constant 1 : i32
        %eq3A_106 = arith.cmpi eq, %rem3A_87, %eq3A_105 : i32
        %convert_element_type3A_107 = arith.extui %eq3A_106 : i1 to i32
        %cond3A_108 = arith.constant 0 : i32
        %cond3A_109 = arith.cmpi ne, %convert_element_type3A_107, %cond3A_108 : i32
        scf.if %cond3A_109 {
          %add3A_110 = arith.constant 1 : i32
          %add3A_111 = arith.addi %while3A_85, %add3A_110 : i32
          %add3A_112 = arith.addi %select_n3A, %add3A_111 : i32
          %mul3A_113 = arith.constant 128 : i32
          %mul3A_114 = arith.muli %add3A_112, %mul3A_113 : i32
          %dma_start3A_115 = arith.constant 0 : i32
          %dma_start3A_116 = arith.constant 0 : i32
          %dma_start3A_117 = arith.constant 0 : i32
          %dma_start3A_118 = tpu.memref_slice %arg7[%dma_start3A_115, %dma_start3A_116, %dma_start3A_117] : memref<2x128x40xf32, #tpu.memory_space<vmem>> -> memref<1x128x40xf32, #tpu.memory_space<vmem>>
          %dma_start3A_119 = tpu.memref_squeeze %dma_start3A_118 : memref<1x128x40xf32, #tpu.memory_space<vmem>> -> memref<128x40xf32, #tpu.memory_space<vmem>>
          %dma_start3A_120 = arith.constant 0 : i32
          %dma_start3A_121 = tpu.memref_slice %arg2[%mul3A_114, %dma_start3A_120] : memref<160000x40xf32, #tpu.memory_space<hbm>> -> memref<128x40xf32, #tpu.memory_space<hbm>>
          %dma_start3A_122 = arith.constant 0 : i32
          %dma_start3A_123 = arith.constant 0 : i32
          %dma_start3A_124 = tpu.memref_slice %arg7[%dma_start3A_115, %dma_start3A_122, %dma_start3A_123] : memref<2x128x40xf32, #tpu.memory_space<vmem>> -> memref<1x128x40xf32, #tpu.memory_space<vmem>>
          %dma_start3A_125 = tpu.memref_squeeze %dma_start3A_124 : memref<1x128x40xf32, #tpu.memory_space<vmem>> -> memref<128x40xf32, #tpu.memory_space<vmem>>
          %dma_start3A_126 = arith.constant 0 : i32
          %dma_start3A_127 = tpu.memref_slice %arg2[%mul3A_114, %dma_start3A_126] : memref<160000x40xf32, #tpu.memory_space<hbm>> -> memref<128x40xf32, #tpu.memory_space<hbm>>
          tpu.enqueue_dma source(%dma_start3A_127 : memref<128x40xf32, #tpu.memory_space<hbm>>) target(%dma_start3A_125 : memref<128x40xf32, #tpu.memory_space<vmem>>) target_semaphore(%arg9 : memref<!tpu.dma_semaphore, #tpu.memory_space<semaphore_mem>>)
        } else {
        }
      } else {
      }
      %eq3A = arith.constant 0 : i32
      %eq3A_91 = arith.cmpi eq, %rem3A_87, %eq3A : i32
      %convert_element_type3A_92 = arith.extui %eq3A_91 : i1 to i32
      %cond3A_93 = arith.constant 0 : i32
      %cond3A_94 = arith.cmpi ne, %convert_element_type3A_92, %cond3A_93 : i32
      scf.if %cond3A_94 {
        %dma_wait3A = arith.constant 0 : i32
        %dma_wait3A_100 = arith.constant 0 : i32
        %dma_wait3A_101 = arith.constant 0 : i32
        %dma_wait3A_102 = tpu.memref_slice %arg7[%dma_wait3A, %dma_wait3A_100, %dma_wait3A_101] : memref<2x128x40xf32, #tpu.memory_space<vmem>> -> memref<1x128x40xf32, #tpu.memory_space<vmem>>
        %dma_wait3A_103 = tpu.memref_squeeze %dma_wait3A_102 : memref<1x128x40xf32, #tpu.memory_space<vmem>> -> memref<128x40xf32, #tpu.memory_space<vmem>>
        %dma_wait3A_104 = arith.constant 0 : i32
        %dma_wait3A_105 = arith.constant 0 : i32
        %dma_wait3A_106 = tpu.memref_slice %arg2[%dma_wait3A_104, %dma_wait3A_105] : memref<160000x40xf32, #tpu.memory_space<hbm>> -> memref<128x40xf32, #tpu.memory_space<hbm>>
        %dma_wait3A_107 = arith.constant 0 : i32
        %dma_wait3A_108 = arith.constant 0 : i32
        %dma_wait3A_109 = tpu.memref_slice %arg7[%dma_wait3A, %dma_wait3A_107, %dma_wait3A_108] : memref<2x128x40xf32, #tpu.memory_space<vmem>> -> memref<1x128x40xf32, #tpu.memory_space<vmem>>
        %dma_wait3A_110 = tpu.memref_squeeze %dma_wait3A_109 : memref<1x128x40xf32, #tpu.memory_space<vmem>> -> memref<128x40xf32, #tpu.memory_space<vmem>>
        %dma_wait3A_111 = arith.constant 0 : i32
        %dma_wait3A_112 = arith.constant 0 : i32
        %dma_wait3A_113 = tpu.memref_slice %arg2[%dma_wait3A_111, %dma_wait3A_112] : memref<160000x40xf32, #tpu.memory_space<hbm>> -> memref<128x40xf32, #tpu.memory_space<hbm>>
        tpu.wait_dma2 semaphore(%arg9 : memref<!tpu.dma_semaphore, #tpu.memory_space<semaphore_mem>>) src(%dma_wait3A_113 : memref<128x40xf32, #tpu.memory_space<hbm>>) dst(%dma_wait3A_110 : memref<128x40xf32, #tpu.memory_space<vmem>>)
        %run_scoped3A_114 = arith.constant 0 : i32
        "tpu.region"() ({
          %run_scoped3A_115 = tpu.sem_alloc : memref<!tpu.dma_semaphore, #tpu.memory_space<semaphore_mem>>
          %dma_start3A_116 = arith.constant 0 : i32
          %dma_start3A_117 = arith.constant 0 : i32
          %dma_start3A_118 = tpu.memref_slice %arg7[%run_scoped3A_114, %dma_start3A_116, %dma_start3A_117] : memref<2x128x40xf32, #tpu.memory_space<vmem>> -> memref<1x128x40xf32, #tpu.memory_space<vmem>>
          %dma_start3A_119 = tpu.memref_squeeze %dma_start3A_118 : memref<1x128x40xf32, #tpu.memory_space<vmem>> -> memref<128x40xf32, #tpu.memory_space<vmem>>
          %dma_start3A_120 = arith.constant 0 : i32
          %dma_start3A_121 = tpu.memref_slice %arg6[%while3A_85, %dma_start3A_120] : memref<40x128xi32, #tpu.memory_space<vmem>> -> memref<1x128xi32, #tpu.memory_space<vmem>>
          %dma_start3A_122 = tpu.memref_squeeze %dma_start3A_121 : memref<1x128xi32, #tpu.memory_space<vmem>> -> memref<128xi32, #tpu.memory_space<vmem>>
          %dma_start3A_123 = arith.constant 0 : i32
          %dma_start3A_124 = arith.constant 0 : i32
          %dma_start3A_125 = tpu.memref_slice %arg8[%dma_start3A_123, %dma_start3A_124] : memref<10240x40xf32, #tpu.memory_space<vmem_shared>> -> memref<10240x40xf32, #tpu.memory_space<vmem_shared>>
          tpu.enqueue_indirect_dma source(%dma_start3A_119 : memref<128x40xf32, #tpu.memory_space<vmem>>) target(%dma_start3A_125 : memref<10240x40xf32, #tpu.memory_space<vmem_shared>>) offsets(%dma_start3A_122 : memref<128xi32, #tpu.memory_space<vmem>>) semaphore(%run_scoped3A_115 : memref<!tpu.dma_semaphore, #tpu.memory_space<semaphore_mem>>) {add = true}
          %dma_wait3A_126 = arith.constant 0 : i32
          %dma_wait3A_127 = arith.constant 0 : i32
          %dma_wait3A_128 = tpu.memref_slice %arg7[%run_scoped3A_114, %dma_wait3A_126, %dma_wait3A_127] : memref<2x128x40xf32, #tpu.memory_space<vmem>> -> memref<1x128x40xf32, #tpu.memory_space<vmem>>
          %dma_wait3A_129 = tpu.memref_squeeze %dma_wait3A_128 : memref<1x128x40xf32, #tpu.memory_space<vmem>> -> memref<128x40xf32, #tpu.memory_space<vmem>>
          %dma_wait3A_130 = arith.constant 0 : i32
          %dma_wait3A_131 = tpu.memref_slice %arg6[%while3A_85, %dma_wait3A_130] : memref<40x128xi32, #tpu.memory_space<vmem>> -> memref<1x128xi32, #tpu.memory_space<vmem>>
          %dma_wait3A_132 = tpu.memref_squeeze %dma_wait3A_131 : memref<1x128xi32, #tpu.memory_space<vmem>> -> memref<128xi32, #tpu.memory_space<vmem>>
          %dma_wait3A_133 = arith.constant 0 : i32
          %dma_wait3A_134 = arith.constant 0 : i32
          %dma_wait3A_135 = tpu.memref_slice %arg8[%dma_wait3A_133, %dma_wait3A_134] : memref<10240x40xf32, #tpu.memory_space<vmem_shared>> -> memref<10240x40xf32, #tpu.memory_space<vmem_shared>>
          tpu.wait_indirect_dma semaphore(%run_scoped3A_115 : memref<!tpu.dma_semaphore, #tpu.memory_space<semaphore_mem>>) src(%dma_wait3A_129 : memref<128x40xf32, #tpu.memory_space<vmem>>) dst(%dma_wait3A_135 : memref<10240x40xf32, #tpu.memory_space<vmem_shared>>)
          tpu.yield
        }) : () -> ()
      } else {
      }
      %eq3A_95 = arith.constant 1 : i32
      %eq3A_96 = arith.cmpi eq, %rem3A_87, %eq3A_95 : i32
      %convert_element_type3A_97 = arith.extui %eq3A_96 : i1 to i32
      %cond3A_98 = arith.constant 0 : i32
      %cond3A_99 = arith.cmpi ne, %convert_element_type3A_97, %cond3A_98 : i32
      scf.if %cond3A_99 {
        %dma_wait3A = arith.constant 1 : i32
        %dma_wait3A_100 = arith.constant 0 : i32
        %dma_wait3A_101 = arith.constant 0 : i32
        %dma_wait3A_102 = tpu.memref_slice %arg7[%dma_wait3A, %dma_wait3A_100, %dma_wait3A_101] : memref<2x128x40xf32, #tpu.memory_space<vmem>> -> memref<1x128x40xf32, #tpu.memory_space<vmem>>
        %dma_wait3A_103 = tpu.memref_squeeze %dma_wait3A_102 : memref<1x128x40xf32, #tpu.memory_space<vmem>> -> memref<128x40xf32, #tpu.memory_space<vmem>>
        %dma_wait3A_104 = arith.constant 0 : i32
        %dma_wait3A_105 = arith.constant 0 : i32
        %dma_wait3A_106 = tpu.memref_slice %arg2[%dma_wait3A_104, %dma_wait3A_105] : memref<160000x40xf32, #tpu.memory_space<hbm>> -> memref<128x40xf32, #tpu.memory_space<hbm>>
        %dma_wait3A_107 = arith.constant 0 : i32
        %dma_wait3A_108 = arith.constant 0 : i32
        %dma_wait3A_109 = tpu.memref_slice %arg7[%dma_wait3A, %dma_wait3A_107, %dma_wait3A_108] : memref<2x128x40xf32, #tpu.memory_space<vmem>> -> memref<1x128x40xf32, #tpu.memory_space<vmem>>
        %dma_wait3A_110 = tpu.memref_squeeze %dma_wait3A_109 : memref<1x128x40xf32, #tpu.memory_space<vmem>> -> memref<128x40xf32, #tpu.memory_space<vmem>>
        %dma_wait3A_111 = arith.constant 0 : i32
        %dma_wait3A_112 = arith.constant 0 : i32
        %dma_wait3A_113 = tpu.memref_slice %arg2[%dma_wait3A_111, %dma_wait3A_112] : memref<160000x40xf32, #tpu.memory_space<hbm>> -> memref<128x40xf32, #tpu.memory_space<hbm>>
        tpu.wait_dma2 semaphore(%arg10 : memref<!tpu.dma_semaphore, #tpu.memory_space<semaphore_mem>>) src(%dma_wait3A_113 : memref<128x40xf32, #tpu.memory_space<hbm>>) dst(%dma_wait3A_110 : memref<128x40xf32, #tpu.memory_space<vmem>>)
        %run_scoped3A_114 = arith.constant 1 : i32
        "tpu.region"() ({
          %run_scoped3A_115 = tpu.sem_alloc : memref<!tpu.dma_semaphore, #tpu.memory_space<semaphore_mem>>
          %dma_start3A_116 = arith.constant 0 : i32
          %dma_start3A_117 = arith.constant 0 : i32
          %dma_start3A_118 = tpu.memref_slice %arg7[%run_scoped3A_114, %dma_start3A_116, %dma_start3A_117] : memref<2x128x40xf32, #tpu.memory_space<vmem>> -> memref<1x128x40xf32, #tpu.memory_space<vmem>>
          %dma_start3A_119 = tpu.memref_squeeze %dma_start3A_118 : memref<1x128x40xf32, #tpu.memory_space<vmem>> -> memref<128x40xf32, #tpu.memory_space<vmem>>
          %dma_start3A_120 = arith.constant 0 : i32
          %dma_start3A_121 = tpu.memref_slice %arg6[%while3A_85, %dma_start3A_120] : memref<40x128xi32, #tpu.memory_space<vmem>> -> memref<1x128xi32, #tpu.memory_space<vmem>>
          %dma_start3A_122 = tpu.memref_squeeze %dma_start3A_121 : memref<1x128xi32, #tpu.memory_space<vmem>> -> memref<128xi32, #tpu.memory_space<vmem>>
          %dma_start3A_123 = arith.constant 0 : i32
          %dma_start3A_124 = arith.constant 0 : i32
          %dma_start3A_125 = tpu.memref_slice %arg8[%dma_start3A_123, %dma_start3A_124] : memref<10240x40xf32, #tpu.memory_space<vmem_shared>> -> memref<10240x40xf32, #tpu.memory_space<vmem_shared>>
          tpu.enqueue_indirect_dma source(%dma_start3A_119 : memref<128x40xf32, #tpu.memory_space<vmem>>) target(%dma_start3A_125 : memref<10240x40xf32, #tpu.memory_space<vmem_shared>>) offsets(%dma_start3A_122 : memref<128xi32, #tpu.memory_space<vmem>>) semaphore(%run_scoped3A_115 : memref<!tpu.dma_semaphore, #tpu.memory_space<semaphore_mem>>) {add = true}
          %dma_wait3A_126 = arith.constant 0 : i32
          %dma_wait3A_127 = arith.constant 0 : i32
          %dma_wait3A_128 = tpu.memref_slice %arg7[%run_scoped3A_114, %dma_wait3A_126, %dma_wait3A_127] : memref<2x128x40xf32, #tpu.memory_space<vmem>> -> memref<1x128x40xf32, #tpu.memory_space<vmem>>
          %dma_wait3A_129 = tpu.memref_squeeze %dma_wait3A_128 : memref<1x128x40xf32, #tpu.memory_space<vmem>> -> memref<128x40xf32, #tpu.memory_space<vmem>>
          %dma_wait3A_130 = arith.constant 0 : i32
          %dma_wait3A_131 = tpu.memref_slice %arg6[%while3A_85, %dma_wait3A_130] : memref<40x128xi32, #tpu.memory_space<vmem>> -> memref<1x128xi32, #tpu.memory_space<vmem>>
          %dma_wait3A_132 = tpu.memref_squeeze %dma_wait3A_131 : memref<1x128xi32, #tpu.memory_space<vmem>> -> memref<128xi32, #tpu.memory_space<vmem>>
          %dma_wait3A_133 = arith.constant 0 : i32
          %dma_wait3A_134 = arith.constant 0 : i32
          %dma_wait3A_135 = tpu.memref_slice %arg8[%dma_wait3A_133, %dma_wait3A_134] : memref<10240x40xf32, #tpu.memory_space<vmem_shared>> -> memref<10240x40xf32, #tpu.memory_space<vmem_shared>>
          tpu.wait_indirect_dma semaphore(%run_scoped3A_115 : memref<!tpu.dma_semaphore, #tpu.memory_space<semaphore_mem>>) src(%dma_wait3A_129 : memref<128x40xf32, #tpu.memory_space<vmem>>) dst(%dma_wait3A_135 : memref<10240x40xf32, #tpu.memory_space<vmem_shared>>)
          tpu.yield
        }) : () -> ()
      } else {
      }
    }
    %barrier3A_77 = arith.constant 0 : index
    tpu.barrier barrier_id(%barrier3A_77)
    %mul3A_78 = arith.constant 640 : i32
    %mul3A_79 = arith.muli %arg1, %mul3A_78 : i32
    %mul3A_80 = arith.constant 10240 : i32
    %mul3A_81 = arith.muli %arg0, %mul3A_80 : i32
    %mul3A_82 = arith.constant 640 : i32
    %mul3A_83 = arith.muli %arg1, %mul3A_82 : i32
    %add3A_84 = arith.addi %mul3A_81, %mul3A_83 : i32
    "tpu.region"() ({
      %run_scoped3A_85 = tpu.sem_alloc : memref<!tpu.dma_semaphore, #tpu.memory_space<semaphore_mem>>
      %dma_start3A_86 = arith.constant 0 : i32
      %dma_start3A_87 = tpu.memref_slice %arg5[%add3A_84, %dma_start3A_86] : memref<20480x40xf32, #tpu.memory_space<hbm>> -> memref<640x40xf32, #tpu.memory_space<hbm>>
      %dma_start3A_88 = arith.constant 0 : i32
      %dma_start3A_89 = tpu.memref_slice %arg8[%mul3A_79, %dma_start3A_88] : memref<10240x40xf32, #tpu.memory_space<vmem_shared>> -> memref<640x40xf32, #tpu.memory_space<vmem_shared>>
      tpu.enqueue_dma source(%dma_start3A_89 : memref<640x40xf32, #tpu.memory_space<vmem_shared>>) target(%dma_start3A_87 : memref<640x40xf32, #tpu.memory_space<hbm>>) target_semaphore(%run_scoped3A_85 : memref<!tpu.dma_semaphore, #tpu.memory_space<semaphore_mem>>)
      %dma_wait3A = arith.constant 0 : i32
      %dma_wait3A_90 = tpu.memref_slice %arg5[%add3A_84, %dma_wait3A] : memref<20480x40xf32, #tpu.memory_space<hbm>> -> memref<640x40xf32, #tpu.memory_space<hbm>>
      %dma_wait3A_91 = arith.constant 0 : i32
      %dma_wait3A_92 = tpu.memref_slice %arg8[%mul3A_79, %dma_wait3A_91] : memref<10240x40xf32, #tpu.memory_space<vmem_shared>> -> memref<640x40xf32, #tpu.memory_space<vmem_shared>>
      tpu.wait_dma2 semaphore(%run_scoped3A_85 : memref<!tpu.dma_semaphore, #tpu.memory_space<semaphore_mem>>) src(%dma_wait3A_92 : memref<640x40xf32, #tpu.memory_space<vmem_shared>>) dst(%dma_wait3A_90 : memref<640x40xf32, #tpu.memory_space<hbm>>)
      tpu.yield
    }) : () -> ()
    return
  }
}

module attributes {stable_mosaic.version = 14 : i64} {
  func.func @_dense_body(%arg0: i32, %arg1: memref<16x6400xf32, #tpu.memory_space<vmem>>, %arg2: memref<6400x16xf32, #tpu.memory_space<vmem>>, %arg3: memref<1x6400xf32, #tpu.memory_space<vmem>>, %arg4: memref<16x16xf32, #tpu.memory_space<vmem>>, %arg5: memref<16x1xf32, #tpu.memory_space<vmem>>, %arg6: memref<16x256xf32, #tpu.memory_space<vmem>>, %arg7: memref<16x256xf32, #tpu.memory_space<vmem>>, %arg8: memref<272x32xf32, #tpu.memory_space<vmem>>, %arg9: memref<6400x40xf32, #tpu.memory_space<vmem>>) attributes {dimension_semantics = [#tpu.dimension_semantics<arbitrary>], iteration_bounds = array<i64: 25>, scalar_prefetch = 0 : i64, scratch_operands = 0 : i64, tpu.core_type = #tpu.core_type<tc>, window_params = [{transform_indices = @transform_0, window_bounds = array<i64: 16, 6400>}, {transform_indices = @transform_1, window_bounds = array<i64: 6400, 16>}, {transform_indices = @transform_2, window_bounds = array<i64: 1, 6400>}, {pipeline_mode = #tpu.pipeline_mode<synchronous>, transform_indices = @transform_3, window_bounds = array<i64: 16, 16>}, {pipeline_mode = #tpu.pipeline_mode<synchronous>, transform_indices = @transform_4, window_bounds = array<i64: 16, 1>}, {pipeline_mode = #tpu.pipeline_mode<synchronous>, transform_indices = @transform_5, window_bounds = array<i64: 16, 256>}, {pipeline_mode = #tpu.pipeline_mode<synchronous>, transform_indices = @transform_6, window_bounds = array<i64: 16, 256>}, {pipeline_mode = #tpu.pipeline_mode<synchronous>, transform_indices = @transform_7, window_bounds = array<i64: 272, 32>}, {transform_indices = @transform_8, window_bounds = array<i64: 6400, 40>}]} {
    %get3A = arith.constant 0 : index
    %get3A_0 = arith.constant 0 : index
    %get3A_1 = vector.load %arg4[%get3A, %get3A_0] : memref<16x16xf32, #tpu.memory_space<vmem>>, vector<16x16xf32>
    %get3A_2 = arith.constant 0 : index
    %get3A_3 = arith.constant 0 : index
    %get3A_4 = vector.load %arg1[%get3A_2, %get3A_3] : memref<16x6400xf32, #tpu.memory_space<vmem>>, vector<16x6400xf32>
    %dot_general3A = arith.constant dense<0.000000e+00> : vector<16x6400xf32>
    %dot_general3A_5 = tpu.matmul %get3A_1, %get3A_4, %dot_general3A {dimension_numbers = #tpu.dot_dimension_numbers<[1], [0], [0], [1], [0, 0, 1, 1], [], []>, transpose_lhs_hint = false} : vector<16x16xf32>, vector<16x6400xf32>, vector<16x6400xf32> -> vector<16x6400xf32>
    %get3A_6 = arith.constant 0 : index
    %get3A_7 = arith.constant 0 : index
    %get3A_8 = vector.load %arg5[%get3A_6, %get3A_7] : memref<16x1xf32, #tpu.memory_space<vmem>>, vector<16x1xf32>
    %add3A = vector.broadcast %get3A_8 : vector<16x1xf32> to vector<16x6400xf32>
    %add3A_9 = arith.addf %dot_general3A_5, %add3A : vector<16x6400xf32>
    %min3A = arith.constant 2.000000e+01 : f32
    %min3A_10 = vector.broadcast %min3A : f32 to vector<16x6400xf32>
    %min3A_11 = arith.minimumf %add3A_9, %min3A_10 : vector<16x6400xf32>
    %exp3A = math.exp %min3A_11 : vector<16x6400xf32>
    %add3A_12 = arith.constant 1.000000e+00 : f32
    %add3A_13 = vector.broadcast %add3A_12 : f32 to vector<16x6400xf32>
    %add3A_14 = arith.addf %add3A_13, %exp3A : vector<16x6400xf32>
    %mul3A = arith.mulf %add3A_14, %add3A_14 : vector<16x6400xf32>
    %sub3A = arith.constant 1.000000e+00 : f32
    %sub3A_15 = vector.broadcast %sub3A : f32 to vector<16x6400xf32>
    %sub3A_16 = arith.subf %mul3A, %sub3A_15 : vector<16x6400xf32>
    %mul3A_17 = arith.mulf %add3A_9, %sub3A_16 : vector<16x6400xf32>
    %add3A_18 = arith.constant 1.000000e+00 : f32
    %add3A_19 = vector.broadcast %add3A_18 : f32 to vector<16x6400xf32>
    %add3A_20 = arith.addf %mul3A, %add3A_19 : vector<16x6400xf32>
    %div3A = arith.divf %mul3A_17, %add3A_20 : vector<16x6400xf32>
    %transpose3A = tpu.transpose %div3A, [1, 0] : vector<16x6400xf32> -> vector<6400x16xf32>
    %get3A_21 = arith.constant 0 : index
    %get3A_22 = arith.constant 0 : index
    %get3A_23 = vector.load %arg2[%get3A_21, %get3A_22] : memref<6400x16xf32, #tpu.memory_space<vmem>>, vector<6400x16xf32>
    %get3A_24 = arith.constant 0 : index
    %get3A_25 = arith.constant 0 : index
    %get3A_26 = vector.load %arg6[%get3A_24, %get3A_25] : memref<16x256xf32, #tpu.memory_space<vmem>>, vector<16x256xf32>
    %dot_general3A_27 = arith.constant dense<0.000000e+00> : vector<6400x256xf32>
    %dot_general3A_28 = tpu.matmul %transpose3A, %get3A_26, %dot_general3A_27 {dimension_numbers = #tpu.dot_dimension_numbers<[1], [0], [0], [1], [0, 0, 1, 1], [], []>, transpose_lhs_hint = false} : vector<6400x16xf32>, vector<16x256xf32>, vector<6400x256xf32> -> vector<6400x256xf32>
    %get3A_29 = arith.constant 0 : index
    %get3A_30 = arith.constant 0 : index
    %get3A_31 = vector.load %arg7[%get3A_29, %get3A_30] : memref<16x256xf32, #tpu.memory_space<vmem>>, vector<16x256xf32>
    %dot_general3A_32 = arith.constant dense<0.000000e+00> : vector<6400x256xf32>
    %dot_general3A_33 = tpu.matmul %get3A_23, %get3A_31, %dot_general3A_32 {dimension_numbers = #tpu.dot_dimension_numbers<[1], [0], [0], [1], [0, 0, 1, 1], [], []>, transpose_lhs_hint = false} : vector<6400x16xf32>, vector<16x256xf32>, vector<6400x256xf32> -> vector<6400x256xf32>
    %mul3A_34 = arith.mulf %dot_general3A_28, %dot_general3A_33 : vector<6400x256xf32>
    %concatenate3A = tpu.concatenate %mul3A_34, %get3A_23 in 1 : vector<6400x256xf32>, vector<6400x16xf32> -> vector<6400x272xf32>
    %get3A_35 = arith.constant 0 : index
    %get3A_36 = arith.constant 0 : index
    %get3A_37 = vector.load %arg8[%get3A_35, %get3A_36] : memref<272x32xf32, #tpu.memory_space<vmem>>, vector<272x32xf32>
    %dot_general3A_38 = arith.constant dense<0.000000e+00> : vector<6400x32xf32>
    %dot_general3A_39 = tpu.matmul %concatenate3A, %get3A_37, %dot_general3A_38 {dimension_numbers = #tpu.dot_dimension_numbers<[1], [0], [0], [1], [0, 0, 1, 1], [], []>, transpose_lhs_hint = false} : vector<6400x272xf32>, vector<272x32xf32>, vector<6400x32xf32> -> vector<6400x32xf32>
    %get3A_40 = arith.constant 0 : index
    %get3A_41 = arith.constant 0 : index
    %get3A_42 = vector.load %arg3[%get3A_40, %get3A_41] : memref<1x6400xf32, #tpu.memory_space<vmem>>, vector<1x6400xf32>
    %transpose3A_43 = tpu.transpose %get3A_42, [1, 0] : vector<1x6400xf32> -> vector<6400x1xf32>
    %mul3A_44 = vector.broadcast %transpose3A_43 : vector<6400x1xf32> to vector<6400x32xf32>
    %mul3A_45 = arith.mulf %dot_general3A_39, %mul3A_44 : vector<6400x32xf32>
    %broadcast_in_dim3A = arith.constant 1.000000e+00 : f32
    %broadcast_in_dim3A_46 = vector.broadcast %broadcast_in_dim3A : f32 to vector<6400x8xf32>
    %concatenate3A_47 = tpu.concatenate %mul3A_45, %broadcast_in_dim3A_46 in 1 : vector<6400x32xf32>, vector<6400x8xf32> -> vector<6400x40xf32>
    %swap3A = arith.constant 0 : index
    %swap3A_48 = arith.constant 0 : index
    %swap3A_49 = vector.load %arg9[%swap3A, %swap3A_48] : memref<6400x40xf32, #tpu.memory_space<vmem>>, vector<6400x40xf32>
    tpu.vector_store %arg9[%swap3A, %swap3A_48], %concatenate3A_47 {strides = array<i32>} : memref<6400x40xf32, #tpu.memory_space<vmem>>, vector<6400x40xf32>,
    return
  }
  func.func @transform_0(%arg0: i32) -> (i32, i32) {
    %c0_i32 = arith.constant 0 : i32
    %c0_i32_0 = arith.constant 0 : i32
    return %c0_i32, %arg0 : i32, i32
  }
  func.func @transform_1(%arg0: i32) -> (i32, i32) {
    %c0_i32 = arith.constant 0 : i32
    %c0_i32_0 = arith.constant 0 : i32
    return %arg0, %c0_i32 : i32, i32
  }
  func.func @transform_2(%arg0: i32) -> (i32, i32) {
    %c0_i32 = arith.constant 0 : i32
    %c0_i32_0 = arith.constant 0 : i32
    return %c0_i32, %arg0 : i32, i32
  }
  func.func @transform_3(%arg0: i32) -> (i32, i32) {
    %c0_i32 = arith.constant 0 : i32
    %c0_i32_0 = arith.constant 0 : i32
    %c0_i32_1 = arith.constant 0 : i32
    return %c0_i32, %c0_i32_0 : i32, i32
  }
  func.func @transform_4(%arg0: i32) -> (i32, i32) {
    %c0_i32 = arith.constant 0 : i32
    %c0_i32_0 = arith.constant 0 : i32
    %c0_i32_1 = arith.constant 0 : i32
    return %c0_i32, %c0_i32_0 : i32, i32
  }
  func.func @transform_5(%arg0: i32) -> (i32, i32) {
    %c0_i32 = arith.constant 0 : i32
    %c0_i32_0 = arith.constant 0 : i32
    %c0_i32_1 = arith.constant 0 : i32
    return %c0_i32, %c0_i32_0 : i32, i32
  }
  func.func @transform_6(%arg0: i32) -> (i32, i32) {
    %c0_i32 = arith.constant 0 : i32
    %c0_i32_0 = arith.constant 0 : i32
    %c0_i32_1 = arith.constant 0 : i32
    return %c0_i32, %c0_i32_0 : i32, i32
  }
  func.func @transform_7(%arg0: i32) -> (i32, i32) {
    %c0_i32 = arith.constant 0 : i32
    %c0_i32_0 = arith.constant 0 : i32
    %c0_i32_1 = arith.constant 0 : i32
    return %c0_i32, %c0_i32_0 : i32, i32
  }
  func.func @transform_8(%arg0: i32) -> (i32, i32) {
    %c0_i32 = arith.constant 0 : i32
    %c0_i32_0 = arith.constant 0 : i32
    return %arg0, %c0_i32 : i32, i32
  }
}

module attributes {stable_mosaic.version = 14 : i64} {
  func.func @_combine_body(%arg0: i32, %arg1: memref<400x40xf32, #tpu.memory_space<vmem>>, %arg2: memref<400x40xf32, #tpu.memory_space<vmem>>, %arg3: memref<400x16xf32, #tpu.memory_space<vmem>>, %arg4: memref<400x32xf32, #tpu.memory_space<vmem>>) attributes {dimension_semantics = [#tpu.dimension_semantics<arbitrary>], iteration_bounds = array<i64: 25>, scalar_prefetch = 0 : i64, scratch_operands = 0 : i64, tpu.core_type = #tpu.core_type<tc>, window_params = [{transform_indices = @transform_0, window_bounds = array<i64: 400, 40>}, {transform_indices = @transform_1, window_bounds = array<i64: 400, 40>}, {transform_indices = @transform_2, window_bounds = array<i64: 400, 16>}, {transform_indices = @transform_3, window_bounds = array<i64: 400, 32>}]} {
    %get3A = arith.constant 0 : index
    %get3A_0 = arith.constant 0 : index
    %get3A_1 = vector.load %arg1[%get3A, %get3A_0] : memref<400x40xf32, #tpu.memory_space<vmem>>, vector<400x40xf32>
    %get3A_2 = arith.constant 0 : index
    %get3A_3 = arith.constant 0 : index
    %get3A_4 = vector.load %arg2[%get3A_2, %get3A_3] : memref<400x40xf32, #tpu.memory_space<vmem>>, vector<400x40xf32>
    %slice3A = vector.extract_strided_slice %get3A_1 {offsets = [0, 0], sizes = [400, 32], strides = [1, 1]} : vector<400x40xf32> to vector<400x32xf32>
    %slice3A_5 = vector.extract_strided_slice %get3A_4 {offsets = [0, 0], sizes = [400, 32], strides = [1, 1]} : vector<400x40xf32> to vector<400x32xf32>
    %add3A = arith.addf %slice3A, %slice3A_5 : vector<400x32xf32>
    %slice3A_6 = vector.extract_strided_slice %get3A_1 {offsets = [0, 32], sizes = [400, 1], strides = [1, 1]} : vector<400x40xf32> to vector<400x1xf32>
    %slice3A_7 = vector.extract_strided_slice %get3A_4 {offsets = [0, 32], sizes = [400, 1], strides = [1, 1]} : vector<400x40xf32> to vector<400x1xf32>
    %add3A_8 = arith.addf %slice3A_6, %slice3A_7 : vector<400x1xf32>
    %get3A_9 = arith.constant 0 : index
    %get3A_10 = arith.constant 0 : index
    %get3A_11 = vector.load %arg3[%get3A_9, %get3A_10] : memref<400x16xf32, #tpu.memory_space<vmem>>, vector<400x16xf32>
    %broadcast_in_dim3A = arith.constant 0.000000e+00 : f32
    %broadcast_in_dim3A_12 = vector.broadcast %broadcast_in_dim3A : f32 to vector<400x16xf32>
    %concatenate3A = tpu.concatenate %get3A_11, %broadcast_in_dim3A_12 in 1 : vector<400x16xf32>, vector<400x16xf32> -> vector<400x32xf32>
    %max3A = arith.constant 1.000000e+00 : f32
    %max3A_13 = vector.broadcast %max3A : f32 to vector<400x1xf32>
    %max3A_14 = arith.maximumf %add3A_8, %max3A_13 : vector<400x1xf32>
    %div3A = vector.broadcast %max3A_14 : vector<400x1xf32> to vector<400x32xf32>
    %div3A_15 = arith.divf %add3A, %div3A : vector<400x32xf32>
    %add3A_16 = arith.addf %div3A_15, %concatenate3A : vector<400x32xf32>
    %swap3A = arith.constant 0 : index
    %swap3A_17 = arith.constant 0 : index
    %swap3A_18 = vector.load %arg4[%swap3A, %swap3A_17] : memref<400x32xf32, #tpu.memory_space<vmem>>, vector<400x32xf32>
    tpu.vector_store %arg4[%swap3A, %swap3A_17], %add3A_16 {strides = array<i32>} : memref<400x32xf32, #tpu.memory_space<vmem>>, vector<400x32xf32>,
    return
  }
  func.func @transform_0(%arg0: i32) -> (i32, i32) {
    %c0_i32 = arith.constant 0 : i32
    %c0_i32_0 = arith.constant 0 : i32
    return %arg0, %c0_i32 : i32, i32
  }
  func.func @transform_1(%arg0: i32) -> (i32, i32) {
    %c0_i32 = arith.constant 0 : i32
    %c0_i32_0 = arith.constant 0 : i32
    return %arg0, %c0_i32 : i32, i32
  }
  func.func @transform_2(%arg0: i32) -> (i32, i32) {
    %c0_i32 = arith.constant 0 : i32
    %c0_i32_0 = arith.constant 0 : i32
    return %arg0, %c0_i32 : i32, i32
  }
  func.func @transform_3(%arg0: i32) -> (i32, i32) {
    %c0_i32 = arith.constant 0 : i32
    %c0_i32_0 = arith.constant 0 : i32
    return %arg0, %c0_i32 : i32, i32
  }
}

</mosaic_0001>

<sc_bundles>
// kernel: kernel.6.cloned.1.call-start
scs
__scs_entry_jumppad:
0x0: {  	(pc) =	sbr.rel $0x88, $3  }
0x1: {  	(tag) =	ssettag $0x0;
	lr =	simm.s32 $0x1  }
0x2: {  	[smem:$0x3F99] =	sst lr;
	_ =	strace $0xD0000000  }
0x3: {  	_ = 	snop  }
0x4: {  	_ = 	snop  }
0x5: {  	_ = 	snop  }
0x6: {  	_ = 	snop  }
0x7: {  	_ = 	snop  }
__scs_overlays_trampoline_lowered:
0x8: {  	[smem:$0x3FA8] =	sst s0  }
0x9: {  	[smem:$0x3FA9] =	sst s1  }
0xa: {  	[smem:$0x3FAA] =	sst s2  }
0xb: {  	[smem:$0x3FAB] =	sst s3  }
0xc: {  	[smem:$0x3FAC] =	sst s4  }
0xd: {  	[smem:$0x3FAD] =	sst s5  }
0xe: {  	[smem:$0x3FAE] =	sst s6  }
0xf: {  	[smem:$0x3FAF] =	sst s7  }
0x10: {  	[smem:$0x3FB0] =	sst s8  }
0x11: {  	[smem:$0x3FB1] =	sst s9;
	s0 =	simm.s32 @!p0 $0x0  }
0x12: {  	s1 =	sld [smem:$0x3F97];
	s0 =	simm.s32 @p0 $0x1  }
0x13: {  	[smem:$0x3FB2] =	sst s0;
	s0 =	simm.s32 @!p1 $0x0  }
0x14: {  	s2 =	sld [smem:$0x3F96];
	s0 =	simm.s32 @p1 $0x1  }
0x15: {  	[smem:$0x3FB3] =	sst s0;
	s0 =	simm.s32 @!p2 $0x0  }
0x16: {  	s3 =	sld [smem:$0x3FDB];
	s0 =	simm.s32 @p2 $0x1  }
0x17: {  	s4 =	simm.s32 $0x1BF5;
	[smem:$0x3FB5] =	sst s0  }
0x18: {  	s0 =	sld [smem:$0x3F98];
	_ =	swait.ge [sflag:s4], $0x0  }
0x19: {  	s7 =	sld [smem:$0x3F99]  }
0x1a: {  	s8 =	sadd.s32 $0xFFFFE003, lr  }
0x1b: {  	s9 =	sadd.s32 $0xFFFFFEF7, lr;
	s5 =	simm.s32 $0xFFFFFFFF;
	p2 =	slt.u32 s8, $0xFFFFF086  }
0x1c: {  	p1 =	slt.u32 s9, $0xF7A;
	s5 =	simm.s32 @!p2 $0x0  }
0x1d: {  	s5 =	simm.s32 @p1 $0x1;
	p0 =	seq.s32 s7, s2  }
0x1e: {  	s7 =	smul.u32 @!p0 $0xF7A, s2;
	p2 =	seq.s32 @!p0 s5, $0x0  }
0x1f: {  	s9 =	smul.u32 $0xF7A, s1;
	s8 =	simm.s32 @!p0 $0x1BF5;
	p2 =	por !p2, p0  }
0x20: {  	[sflag:s8] =	ssyncset.s32 @!p0 $0xFFFFF086;
	s6 =	sadd.s32 @!p0 s3, s7;
	s7 =	simm.s32 @!p0 $0x108  }
0x21: {  	s3 =	sadd.s32 s3, s9;
	s6 =	sadd.s32 @!p0 $0x88, s6;
	s7 =	simm.s32 @p2 $0x1082  }
0x22: {  	[simem:s7], [sflag:s8] =	dma.local @!p0 [hbm:s6], $0xF7A  }
0x23: {  	s9 =	sor.u32 $0xD0000000, s2;
	s6 =	simm.s32 $0x108;
	_ =	swait.ge @!p0 [sflag:s8], $0x0  }
0x24: {  	s3 =	sadd.s32 $0x88, s3;
	s6 =	simm.s32 @!p1 $0x1082;
	[sflag:s4] =	ssyncset.s32 $0xFFFFF086  }
0x25: {  	[simem:s6], [sflag:s4] =	dma.local [hbm:s3], $0xF7A  }
0x26: {  	[smem:$0x3F99] =	sst s1;
	(tag) =	ssettag s2;
	_ =	strace s9  }
0x27: {  	s1 =	sld [smem:$0x3FA9]  }
0x28: {  	s2 =	sld [smem:$0x3FAA]  }
0x29: {  	s4 =	sld [smem:$0x3FAC]  }
0x2a: {  	p0 =	seq.s32 s5, $0x0;
	s5 =	sld [smem:$0x3FAD]  }
0x2b: {  	s6 =	sld [smem:$0x3FAE]  }
0x2c: {  	s7 =	sld [smem:$0x3FAF]  }
0x2d: {  	s3 =	simm.s32 $0x108;
	s8 =	sld [smem:$0x3FB0]  }
0x2e: {  	s3 =	simm.s32 @!p0 $0x1082;
	s9 =	sld [smem:$0x3FB1]  }
0x2f: {  	lr =	sadd.s32 s0, s3;
	s0 =	sld [smem:$0x3FA8]  }
0x30: {  	s3 =	sld [smem:$0x3FAB]  }
0x31: {  	[smem:$0x3FB4] =	sst s10  }
0x32: {  	s10 =	sld [smem:$0x3FB2];
	_ =	sdelay $0x3  }
0x33: {  	p0 =	seq.s32 s10, $0x1;
	s10 =	sld [smem:$0x3FB4];
	_ =	sdelay $0x3  }
0x34: {  	[smem:$0x3FB4] =	sst s10  }
0x35: {  	s10 =	sld [smem:$0x3FB3];
	_ =	sdelay $0x3  }
0x36: {  	p1 =	seq.s32 s10, $0x1;
	s10 =	sld [smem:$0x3FB4];
	_ =	sdelay $0x3  }
0x37: {  	[smem:$0x3FB4] =	sst s10  }
0x38: {  	s10 =	sld [smem:$0x3FB5]  }
0x39: {  	_ = 	snop;
	(pc) =	sbr.ind lr, $3  }
0x3a: {  	_ = 	snop  }
0x3b: {  	_ = 	snop  }
0x3c: {  	p2 =	seq.s32 s10, $0x1;
	s10 =	sld [smem:$0x3FB4]  }
0x3d: {  	_ =	shalt  }
0x3e: {  	_ =	shalt  }
0x3f: {  	_ =	shalt  }
0x40: {  	_ =	shalt  }
0x41: {  	_ =	shalt  }
0x42: {  	_ =	shalt  }
0x43: {  	_ =	shalt  }
0x44: {  	_ =	shalt  }
0x45: {  	_ =	shalt  }
0x46: {  	_ =	shalt  }
0x47: {  	_ =	shalt  }
0x48: {  	_ =	shalt  }
0x49: {  	_ =	shalt  }
0x4a: {  	_ =	shalt  }
0x4b: {  	_ =	shalt  }
0x4c: {  	_ =	shalt  }
0x4d: {  	_ =	shalt  }
0x4e: {  	_ =	shalt  }
0x4f: {  	_ =	shalt  }
0x50: {  	_ =	shalt  }
0x51: {  	_ =	shalt  }
0x52: {  	_ =	shalt  }
0x53: {  	_ =	shalt  }
0x54: {  	_ =	shalt  }
0x55: {  	_ =	shalt  }
0x56: {  	_ =	shalt  }
0x57: {  	_ =	shalt  }
0x58: {  	_ =	shalt  }
0x59: {  	_ =	shalt  }
0x5a: {  	_ =	shalt  }
0x5b: {  	_ =	shalt  }
0x5c: {  	_ =	shalt  }
0x5d: {  	_ =	shalt  }
0x5e: {  	_ =	shalt  }
0x5f: {  	_ =	shalt  }
0x60: {  	_ =	shalt  }
0x61: {  	_ =	shalt  }
0x62: {  	_ =	shalt  }
0x63: {  	_ =	shalt  }
0x64: {  	_ =	shalt  }
0x65: {  	_ =	shalt  }
0x66: {  	_ =	shalt  }
0x67: {  	_ =	shalt  }
0x68: {  	_ =	shalt  }
0x69: {  	_ =	shalt  }
0x6a: {  	_ =	shalt  }
0x6b: {  	_ =	shalt  }
0x6c: {  	_ =	shalt  }
0x6d: {  	_ =	shalt  }
0x6e: {  	_ =	shalt  }
0x6f: {  	_ =	shalt  }
0x70: {  	_ =	shalt  }
0x71: {  	_ =	shalt  }
0x72: {  	_ =	shalt  }
0x73: {  	_ =	shalt  }
0x74: {  	_ =	shalt  }
0x75: {  	_ =	shalt  }
0x76: {  	_ =	shalt  }
0x77: {  	_ =	shalt  }
0x78: {  	_ =	shalt  }
0x79: {  	_ =	shalt  }
0x7a: {  	_ =	shalt  }
0x7b: {  	_ =	shalt  }
0x7c: {  	_ =	shalt  }
0x7d: {  	_ =	shalt  }
0x7e: {  	_ =	shalt  }
0x7f: {  	_ =	shalt  }
0x80: {  	_ =	shalt  }
0x81: {  	_ =	shalt  }
0x82: {  	_ =	shalt  }
0x83: {  	_ =	shalt  }
0x84: {  	_ =	shalt  }
0x85: {  	_ =	shalt  }
0x86: {  	_ =	shalt  }
0x87: {  	_ =	shalt  }
.Lfunc_end0:
.L_simem_size_0:
called_computation_lowered:
.L_overlay_start_0:
0x88: {  	s2 =	sld [smem:$0x3FD9]  }
0x89: {  	s3 =	sld [smem:$0x3FFE];
	_ =	sdelay $0x1  }
0x8a: {  	s1 =	srdreg.scid  }
0x8b: {  	s0 =	sand.u32 $0x1, s1  }
0x8c: {  	s17 =	sshll.u32 s0, $0xA;
	s2 =	sadd.s32 s3, s2  }
0x8d: {  	s2 =	sadd.s32 s2, s17  }
0x8e: {  	[smem:$0x3FC0] =	sst s2  }
0x8f: {  	_ = 	snop  }
0x90: {  	s2 =	sld [smem:$0x3FD0];
	(tm) =	ssettm $0x1  }
0x91: {  	s18 =	sld [smem:$0x3FFB];
	_ =	sdelay $0x3  }
0x92: {  	_ =	strace s18  }
0x93: {  	s3 =	sld [smem:$0x3FFC];
	_ =	sdelay $0x3  }
0x94: {  	_ =	strace s3  }
0x95: {  	s3 =	sld [smem:$0x3FFD];
	_ =	sdelay $0x3  }
0x96: {  	_ =	strace s3  }
0x97: {  	_ =	strace $0x8FFFFFFF  }
0x98: {  	s19 =	sld [smem:$0x3FDB];
	_ =	sdelay $0x1  }
0x99: {  	s4 =	simm.s32 $_scs_section_size  }
0x9a: {  	s5 =	simm.s32 $_size__tile_overlayer_lowered;
	s6 =	simm.s32 $_tile_overlayer_lowered  }
0x9b: {  	s22 =	simm.s32 $0x1BFF;
	s21 =	sshll.u32 s6, $0x1;
	s3 =	sadd.s32 s4, s19  }
0x9c: {  	s7 =	simm.s32 $0x0;
	s20 =	sshll.u32 s5, $0x1;
	s5 =	sadd.s32 s21, s3  }
0x9d: {  	[timem:s7], [sflag:s22] =	dma.local [hbm:s5], s20  }
0x9e: {  	_ =	swait.ge [sflag:s22], s20  }
0x9f: {  	s4 =	ssub.s32 $0x0, s20;
	[sflag:s22] =	ssyncset.done $0x0  }
0xa0: {  	[sflag:s22] =	ssyncadd.s32 s4;
	_ =	sdelay $0x1  }
0xa1: {  	s23 =	simm.s32 $0x1B8B  }
0xa2: {  	_ =	swait.ge [sflag:s23], $0x1  }
0xa3: {  	[sflag:s23] =	ssyncset.done $0x0  }
0xa4: {  	s25 =	simm.s32 $0x1B8E;
	s24 =	sld [smem:$0x3FFE];
	[sflag:s23] =	ssyncadd.s32 $0xFFFFFFFF  }
0xa5: {  	s26 =	simm.s32 $execute0_lowered;
	[smem:$0x3FD2] =	sst s25  }
0xa6: {  	s5 =	sshll.u32 s26, $0x1;
	_ =	strace $0x80000046;
	[dreg:$0x1] =	wrdreg $0xFFFFFFFF  }
0xa7: {  	s28 =	simm.s32 $_size_execute0_lowered;
	s3 =	sadd.s32 s3, s5;
	[dreg:$0x0] =	wrdreg $0x0  }
0xa8: {  	s5 =	sshll.u32 s28, $0x1;
	[dreg:$0x2] =	wrdreg s3  }
0xa9: {  	[dreg:$0x3] =	wrdreg s5  }
0xaa: {  	[dreg:$0x4] =	wrdreg $0xC0  }
0xab: {  	_ =	task [dreg:s7], $0x5FFFF  }
0xac: {  	[dreg:$0x1] =	wrdreg $0xFFFFFFFF  }
0xad: {  	[dreg:$0x0] =	wrdreg $0x60  }
0xae: {  	[dreg:$0x2] =	wrdreg s24  }
0xaf: {  	[dreg:$0x3] =	wrdreg s2  }
0xb0: {  	[dreg:$0x4] =	wrdreg $0x9  }
0xb1: {  	_ =	task.clear_ibuf [dreg:s7], $0x5FFFF;
	_ =	strace $0x90000046  }
0xb2: {  	s29 =	simm.s32 $0x9;
	_ =	strace $0x80000048  }
0xb3: {  	_ =	swait.ge [sflag:s29], $0x1  }
0xb4: {  	[sflag:s29] =	ssyncadd.s32 $0xFFFFFFFF  }
0xb5: {  	_ =	strace $0x90000048  }
0xb6: {  	_ =	sfence  }
0xb7: {  	s30 =	sld [smem:$0x0];
	_ =	sdelay $0x2  }
0xb8: {  	s31 =	sshll.u32 s1, $0xD;
	s1 =	sshrl.u32 s1, $0x2  }
0xb9: {  	s3 =	sand.u32 $0x4000, s31;
	s1 =	sadd.s32 s1, s30  }
0xba: {  	s0 =	sor.u32 s3, s0;
	s1 =	sshll.u32 s1, $0x11  }
0xbb: {  	s0 =	sor.u32 s1, s0  }
0xbc: {  	s0 =	sadd.s32 $0x8F2B, s0  }
0xbd: {  	[sflag:s0] =	ssyncadd.remote.s32 $0x1  }
0xbe: {  	_ =	sfence.sel $0xFFFF  }
0xbf: {  	[dreg:$0x0] =	wrdreg $0xFFFFFFFF;
	(pc) =	sbr.abs _section_cstart, $3  }
0xc0: {  	[dreg:$0x1] =	wrdreg $0xFFFFFFFF  }
0xc1: {  	_ =	task.clear_ibuf [dreg:s7], $0x2FFFF;
	_ =	strace $0x9FFFFFFF  }
0xc2: {  	(tm) =	ssettm $0x7FFFFFFF  }
0xc3: {  	_ =	shalt  }
tec
execute0_lowered:
.L_overlay_start_1:
0x0: {  	(tag) =	ssettag $0x1  }
0x1: {  	s1 =	srdreg.scid;
	s5 =	rddreg [dreg:$0x0]  }
0x2: {  	s0 =	stileid.u32;
	s6 =	rddreg [dreg:$0x1]  }
0x3: {  	s2 =	simm.s32 $0x0;
	s4 =	sand.u32 $0x1, s1;
	s28 =	sshll.u32 s0, $0x1  }
0x4: {  	s12 =	simm.s32 $0x1400;
	s13 =	simm.s32 $0x14C00;
	s1 =	sor.u32 s4, s28  }
0x5: {  	s14 =	simm.s32 $0x0;
	[smem:$0x7FF] =	sst s2;
	s7 =	smul.u32 $0x4E2, s1  }
0x6: {  	s3 =	sadd.s32 $0x2A000, s5;
	s4 =	ssub.s32 $0x2, s4;
	s1 =	rddreg [dreg:$0x2]  }
0x7: {  	_ =	strace $0x80000047;
	s30 =	sshrl.u32 s4, $0x1;
	s8 =	sshrl.u32 s7, $0x5  }
0x8: {  	s11 =	ssub.s32 s4, s30;
	s29 =	sadd.s32 $0x4E2, s7;
	s9 =	sshll.u32 s8, $0x8  }
.Ltmp0:
0x9: {  	s10 =	sshll.u32 s8, $0x4;
	s9 =	sadd.s32 s9, s5;
	(pc) =	sbr.rel .LBB2_1-.Ltmp0, $4  }
0xa: {  	s5 =	sshrl.u32 s29, $0x5;
	s31 =	sadd.s32 s10, s6;
	s10 =	simm.s32 $0x80  }
0xb: {  	s4 =	ssub.s32 s5, s8;
	s5 =	sadd.s32 $0x4E20, s31;
	s6 =	sadd.s32 $0x2F000, s9  }
0xc: {  	s7 =	sadd.s32 $0x31700, s9;
	s8 =	smax.u32 s11, $0x1;
	s9 =	simm.s32 $0x2  }
0xd: {  	s11 =	simm.s32 $0x1;
	p0 =	sgt.s32 s4, $0x0;
	p1 =	sne.s32 s4, $0x28  }
.LBB2_7:
0xe: {  	_ =	swait.ge [sflag:s11], $0x800  }
0xf: {  	[sflag:s11] =	ssyncset.done $0x0  }
0x10: {  	[sflag:s11] =	ssyncadd.s32 $0xFFFFF800  }
0x11: {  	[hbm4b:s6+s2] =	stream.linear.scatter [tilespmem:s12], [sflag:$0x2], $0x13800, $0x38;
	[tilespmem:$0x15400] =	vst v63  }
0x12: {  	_ =	swait.ge [sflag:s9], $0x13800  }
0x13: {  	[sflag:s9] =	ssyncset.done $0x0  }
0x14: {  	[sflag:s9] =	ssyncadd.s32 $0xFFFEC800  }
0x15: {  	[hbm4b:s7+s2] =	stream.linear.scatter [tilespmem:s13], [sflag:$0x2], $0x800, $0x38;
	[tilespmem:$0x15400] =	vst v63  }
0x16: {  	_ =	swait.ge [sflag:s9], $0x800  }
0x17: {  	[sflag:s9] =	ssyncset.done $0x0  }
0x18: {  	[sflag:s9] =	ssyncadd.s32 $0xFFFFF800  }
.LBB2_8:
0x19: {  	s14 =	sadd.s32 $0x1, s14  }
0x1a: {  	p2 =	sne.s32 s14, s8  }
.Ltmp1:
0x1b: {  	_ = 	snop;
	(pc) =	sbr.rel @!p2 .LBB2_9-.Ltmp1, $1  }
0x1c: {  	_ =	sdelay $0x3  }
.LBB2_1:
.Ltmp2:
0x1d: {  	(pc) =	sbr.rel @!p0 .LBB2_2-.Ltmp2, $4  }
0x1e: {  	[tilespmem:s2], [sflag:$0x2] =	stream.linear.gather [hbm4b:s5+s2], $0x1400, $0x38;
	[tilespmem:$0x15400] =	vst v63  }
0x1f: {  	_ =	swait.ge [sflag:s9], $0x1400  }
0x20: {  	[sflag:s9] =	ssyncset.done $0x0  }
0x21: {  	[sflag:s9] =	ssyncadd.s32 $0xFFFFEC00  }
0x22: {  	s15 =	sadd.s32 $0x1, s2  }
0x23: {  	p2 =	slt.s32 s15, s4  }
.Ltmp3:
0x24: {  	_ = 	snop;
	(pc) =	sbr.rel @!p2 .LBB2_6-.Ltmp3, $3  }
0x25: {  	_ =	sdelay $0x1  }
0x26: {  	[tilespmem:s12], [sflag:$0x1] =	stream.indirect.gather [hbm4b:s3+s10], $0x10, s2, s10, $0xb8;
	[tilespmem:$0x15400] =	vst v63  }
0x27: {  	s16 =	simm.s32 $0x0;
	s17 =	simm.s32 $0x1400  }
.LBB2_5:
0x28: {  	s15 =	sadd.s32 $0x1, s15  }
0x29: {  	p2 =	slt.s32 s15, s4  }
.Ltmp4:
0x2a: {  	_ = 	snop;
	(pc) =	sbr.rel @p2 .LBB2_5-.Ltmp4, $3  }
0x2b: {  	_ = 	snop  }
0x2c: {  	s16 =	sadd.s32 $0x80, s16;
	s17 =	sadd.s32 $0x800, s17;
	_ =	sdelay $0x1  }
0x2d: {  	[tilespmem:s17], [sflag:$0x1] =	stream.indirect.gather [hbm4b:s3+s10], $0x10, s16, s10, $0xb8;
	[tilespmem:$0x15400] =	vst v63  }
.LBB2_6:
.Ltmp5:
0x2e: {  	(pc) =	sbr.rel @p1 .LBB2_3-.Ltmp5, $4  }
.Ltmp6:
0x2f: {  	(pc) =	sbr.rel @!p1 .LBB2_7-.Ltmp6, $4  }
0x30: {  	_ =	swait.ge [sflag:s11], $0x13800  }
0x31: {  	[sflag:s11] =	ssyncset.done $0x0  }
0x32: {  	[sflag:s11] =	ssyncadd.s32 $0xFFFEC800  }
0x33: {  	_ = 	snop  }
.LBB2_2:
0x34: {  	_ =	swait.ge [sflag:s11], $0x13800  }
0x35: {  	[sflag:s11] =	ssyncset.done $0x0  }
0x36: {  	[sflag:s11] =	ssyncadd.s32 $0xFFFEC800  }
.LBB2_3:
.Ltmp7:
0x37: {  	(pc) =	sbr.rel .LBB2_8-.Ltmp7, $4  }
0x38: {  	[hbm4b:s6+s2] =	stream.linear.scatter [tilespmem:s12], [sflag:$0x2], $0x13800, $0x38;
	[tilespmem:$0x15400] =	vst v63  }
0x39: {  	_ =	swait.ge [sflag:s9], $0x13800  }
0x3a: {  	[sflag:s9] =	ssyncset.done $0x0  }
0x3b: {  	[sflag:s9] =	ssyncadd.s32 $0xFFFEC800  }
.LBB2_9:
0x3c: {  	_ =	sfence.sel $0x180000  }
0x3d: {  	[bflag:$0x0] =	sbarrier.arrive $0xFFFF  }
0x3e: {  	p0 =	sne.s32 s0, $0x0;
	_ =	strace $0x90000047  }
0x3f: {  	s0 =	sadd.s32 @!p0 $0x100000, s1;
	[bflag:$0x2] =	sbarrier.arrive $0xFFFF  }
0x40: {  	[sflag:s0] =	ssyncadd.tile.s32 @!p0 $0x1;
	_ =	shalt  }
.Lfunc_end2:
_tile_overlayer_lowered:
.L_overlay_start_2:
0x41: {  	(tag) =	ssettag $0x2  }
0x42: {  	s0 =	rddreg [dreg:$0x0];
	s2 =	stileid.u32  }
0x43: {  	s1 =	rddreg [dreg:$0x1];
	p0 =	sne.s32 s2, $0x0  }
0x44: {  	s3 =	rddreg [dreg:$0x2];
	[bflag:$0x3] =	sbarrier.arrive $0xFFFF;
	s2 =	simm.s32 @!p0 $0x1C02  }
0x45: {  	[timem:s3], [sflag:s2] =	dma.local @!p0 [hbm:s0], s1  }
0x46: {  	s0 =	simm.s32 @!p0 $0x2  }
0x47: {  	_ =	swait.ge @!p0 [sflag:s0], s1  }
0x48: {  	s1 =	ssub.s32 @!p0 $0x0, s1;
	[sflag:s0] =	ssyncset.done @!p0 $0x0  }
0x49: {  	[sflag:s0] =	ssyncadd.s32 @!p0 s1  }
0x4a: {  	[bflag:$0x3] =	sbarrier.arrive $0xFFFF  }
0x4b: {  	_ =	shalt  }

// kernel: kernel.9.cloned.1.call-start
scs
__scs_entry_jumppad:
0x0: {  	(pc) =	sbr.rel $0x88, $3  }
0x1: {  	(tag) =	ssettag $0x0;
	lr =	simm.s32 $0x1  }
0x2: {  	[smem:$0x3F99] =	sst lr;
	_ =	strace $0xD0000000  }
0x3: {  	_ = 	snop  }
0x4: {  	_ = 	snop  }
0x5: {  	_ = 	snop  }
0x6: {  	_ = 	snop  }
0x7: {  	_ = 	snop  }
__scs_overlays_trampoline_lowered:
0x8: {  	[smem:$0x3FA8] =	sst s0  }
0x9: {  	[smem:$0x3FA9] =	sst s1  }
0xa: {  	[smem:$0x3FAA] =	sst s2  }
0xb: {  	[smem:$0x3FAB] =	sst s3  }
0xc: {  	[smem:$0x3FAC] =	sst s4  }
0xd: {  	[smem:$0x3FAD] =	sst s5  }
0xe: {  	[smem:$0x3FAE] =	sst s6  }
0xf: {  	[smem:$0x3FAF] =	sst s7  }
0x10: {  	[smem:$0x3FB0] =	sst s8  }
0x11: {  	[smem:$0x3FB1] =	sst s9;
	s0 =	simm.s32 @!p0 $0x0  }
0x12: {  	s1 =	sld [smem:$0x3F97];
	s0 =	simm.s32 @p0 $0x1  }
0x13: {  	[smem:$0x3FB2] =	sst s0;
	s0 =	simm.s32 @!p1 $0x0  }
0x14: {  	s2 =	sld [smem:$0x3F96];
	s0 =	simm.s32 @p1 $0x1  }
0x15: {  	[smem:$0x3FB3] =	sst s0;
	s0 =	simm.s32 @!p2 $0x0  }
0x16: {  	s3 =	sld [smem:$0x3FDB];
	s0 =	simm.s32 @p2 $0x1  }
0x17: {  	s4 =	simm.s32 $0x1BF5;
	[smem:$0x3FB5] =	sst s0  }
0x18: {  	s0 =	sld [smem:$0x3F98];
	_ =	swait.ge [sflag:s4], $0x0  }
0x19: {  	s7 =	sld [smem:$0x3F99]  }
0x1a: {  	s8 =	sadd.s32 $0xFFFFE003, lr  }
0x1b: {  	s9 =	sadd.s32 $0xFFFFFEF7, lr;
	s5 =	simm.s32 $0xFFFFFFFF;
	p2 =	slt.u32 s8, $0xFFFFF086  }
0x1c: {  	p1 =	slt.u32 s9, $0xF7A;
	s5 =	simm.s32 @!p2 $0x0  }
0x1d: {  	s5 =	simm.s32 @p1 $0x1;
	p0 =	seq.s32 s7, s2  }
0x1e: {  	s7 =	smul.u32 @!p0 $0xF7A, s2;
	p2 =	seq.s32 @!p0 s5, $0x0  }
0x1f: {  	s9 =	smul.u32 $0xF7A, s1;
	s8 =	simm.s32 @!p0 $0x1BF5;
	p2 =	por !p2, p0  }
0x20: {  	[sflag:s8] =	ssyncset.s32 @!p0 $0xFFFFF086;
	s6 =	sadd.s32 @!p0 s3, s7;
	s7 =	simm.s32 @!p0 $0x108  }
0x21: {  	s3 =	sadd.s32 s3, s9;
	s6 =	sadd.s32 @!p0 $0x88, s6;
	s7 =	simm.s32 @p2 $0x1082  }
0x22: {  	[simem:s7], [sflag:s8] =	dma.local @!p0 [hbm:s6], $0xF7A  }
0x23: {  	s9 =	sor.u32 $0xD0000000, s2;
	s6 =	simm.s32 $0x108;
	_ =	swait.ge @!p0 [sflag:s8], $0x0  }
0x24: {  	s3 =	sadd.s32 $0x88, s3;
	s6 =	simm.s32 @!p1 $0x1082;
	[sflag:s4] =	ssyncset.s32 $0xFFFFF086  }
0x25: {  	[simem:s6], [sflag:s4] =	dma.local [hbm:s3], $0xF7A  }
0x26: {  	[smem:$0x3F99] =	sst s1;
	(tag) =	ssettag s2;
	_ =	strace s9  }
0x27: {  	s1 =	sld [smem:$0x3FA9]  }
0x28: {  	s2 =	sld [smem:$0x3FAA]  }
0x29: {  	s4 =	sld [smem:$0x3FAC]  }
0x2a: {  	p0 =	seq.s32 s5, $0x0;
	s5 =	sld [smem:$0x3FAD]  }
0x2b: {  	s6 =	sld [smem:$0x3FAE]  }
0x2c: {  	s7 =	sld [smem:$0x3FAF]  }
0x2d: {  	s3 =	simm.s32 $0x108;
	s8 =	sld [smem:$0x3FB0]  }
0x2e: {  	s3 =	simm.s32 @!p0 $0x1082;
	s9 =	sld [smem:$0x3FB1]  }
0x2f: {  	lr =	sadd.s32 s0, s3;
	s0 =	sld [smem:$0x3FA8]  }
0x30: {  	s3 =	sld [smem:$0x3FAB]  }
0x31: {  	[smem:$0x3FB4] =	sst s10  }
0x32: {  	s10 =	sld [smem:$0x3FB2];
	_ =	sdelay $0x3  }
0x33: {  	p0 =	seq.s32 s10, $0x1;
	s10 =	sld [smem:$0x3FB4];
	_ =	sdelay $0x3  }
0x34: {  	[smem:$0x3FB4] =	sst s10  }
0x35: {  	s10 =	sld [smem:$0x3FB3];
	_ =	sdelay $0x3  }
0x36: {  	p1 =	seq.s32 s10, $0x1;
	s10 =	sld [smem:$0x3FB4];
	_ =	sdelay $0x3  }
0x37: {  	[smem:$0x3FB4] =	sst s10  }
0x38: {  	s10 =	sld [smem:$0x3FB5]  }
0x39: {  	_ = 	snop;
	(pc) =	sbr.ind lr, $3  }
0x3a: {  	_ = 	snop  }
0x3b: {  	_ = 	snop  }
0x3c: {  	p2 =	seq.s32 s10, $0x1;
	s10 =	sld [smem:$0x3FB4]  }
0x3d: {  	_ =	shalt  }
0x3e: {  	_ =	shalt  }
0x3f: {  	_ =	shalt  }
0x40: {  	_ =	shalt  }
0x41: {  	_ =	shalt  }
0x42: {  	_ =	shalt  }
0x43: {  	_ =	shalt  }
0x44: {  	_ =	shalt  }
0x45: {  	_ =	shalt  }
0x46: {  	_ =	shalt  }
0x47: {  	_ =	shalt  }
0x48: {  	_ =	shalt  }
0x49: {  	_ =	shalt  }
0x4a: {  	_ =	shalt  }
0x4b: {  	_ =	shalt  }
0x4c: {  	_ =	shalt  }
0x4d: {  	_ =	shalt  }
0x4e: {  	_ =	shalt  }
0x4f: {  	_ =	shalt  }
0x50: {  	_ =	shalt  }
0x51: {  	_ =	shalt  }
0x52: {  	_ =	shalt  }
0x53: {  	_ =	shalt  }
0x54: {  	_ =	shalt  }
0x55: {  	_ =	shalt  }
0x56: {  	_ =	shalt  }
0x57: {  	_ =	shalt  }
0x58: {  	_ =	shalt  }
0x59: {  	_ =	shalt  }
0x5a: {  	_ =	shalt  }
0x5b: {  	_ =	shalt  }
0x5c: {  	_ =	shalt  }
0x5d: {  	_ =	shalt  }
0x5e: {  	_ =	shalt  }
0x5f: {  	_ =	shalt  }
0x60: {  	_ =	shalt  }
0x61: {  	_ =	shalt  }
0x62: {  	_ =	shalt  }
0x63: {  	_ =	shalt  }
0x64: {  	_ =	shalt  }
0x65: {  	_ =	shalt  }
0x66: {  	_ =	shalt  }
0x67: {  	_ =	shalt  }
0x68: {  	_ =	shalt  }
0x69: {  	_ =	shalt  }
0x6a: {  	_ =	shalt  }
0x6b: {  	_ =	shalt  }
0x6c: {  	_ =	shalt  }
0x6d: {  	_ =	shalt  }
0x6e: {  	_ =	shalt  }
0x6f: {  	_ =	shalt  }
0x70: {  	_ =	shalt  }
0x71: {  	_ =	shalt  }
0x72: {  	_ =	shalt  }
0x73: {  	_ =	shalt  }
0x74: {  	_ =	shalt  }
0x75: {  	_ =	shalt  }
0x76: {  	_ =	shalt  }
0x77: {  	_ =	shalt  }
0x78: {  	_ =	shalt  }
0x79: {  	_ =	shalt  }
0x7a: {  	_ =	shalt  }
0x7b: {  	_ =	shalt  }
0x7c: {  	_ =	shalt  }
0x7d: {  	_ =	shalt  }
0x7e: {  	_ =	shalt  }
0x7f: {  	_ =	shalt  }
0x80: {  	_ =	shalt  }
0x81: {  	_ =	shalt  }
0x82: {  	_ =	shalt  }
0x83: {  	_ =	shalt  }
0x84: {  	_ =	shalt  }
0x85: {  	_ =	shalt  }
0x86: {  	_ =	shalt  }
0x87: {  	_ =	shalt  }
.Lfunc_end0:
.L_simem_size_0:
called_computation.1_lowered:
.L_overlay_start_0:
0x88: {  	s2 =	sld [smem:$0x3FD9]  }
0x89: {  	s3 =	sld [smem:$0x3FFE];
	_ =	sdelay $0x1  }
0x8a: {  	s1 =	srdreg.scid  }
0x8b: {  	s0 =	sand.u32 $0x1, s1  }
0x8c: {  	s17 =	sshll.u32 s0, $0xA;
	s2 =	sadd.s32 s3, s2  }
0x8d: {  	s2 =	sadd.s32 s2, s17  }
0x8e: {  	[smem:$0x3FC0] =	sst s2  }
0x8f: {  	_ = 	snop  }
0x90: {  	s2 =	sld [smem:$0x3FD0];
	(tm) =	ssettm $0x1  }
0x91: {  	s18 =	sld [smem:$0x3FFB];
	_ =	sdelay $0x3  }
0x92: {  	_ =	strace s18  }
0x93: {  	s3 =	sld [smem:$0x3FFC];
	_ =	sdelay $0x3  }
0x94: {  	_ =	strace s3  }
0x95: {  	s3 =	sld [smem:$0x3FFD];
	_ =	sdelay $0x3  }
0x96: {  	_ =	strace s3  }
0x97: {  	_ =	strace $0x8FFFFFFF  }
0x98: {  	s19 =	sld [smem:$0x3FDB];
	_ =	sdelay $0x1  }
0x99: {  	s4 =	simm.s32 $_scs_section_size  }
0x9a: {  	s5 =	simm.s32 $_size__tile_overlayer_lowered;
	s6 =	simm.s32 $_tile_overlayer_lowered  }
0x9b: {  	s22 =	simm.s32 $0x1BFF;
	s21 =	sshll.u32 s6, $0x1;
	s3 =	sadd.s32 s4, s19  }
0x9c: {  	s7 =	simm.s32 $0x0;
	s20 =	sshll.u32 s5, $0x1;
	s5 =	sadd.s32 s21, s3  }
0x9d: {  	[timem:s7], [sflag:s22] =	dma.local [hbm:s5], s20  }
0x9e: {  	_ =	swait.ge [sflag:s22], s20  }
0x9f: {  	s4 =	ssub.s32 $0x0, s20;
	[sflag:s22] =	ssyncset.done $0x0  }
0xa0: {  	[sflag:s22] =	ssyncadd.s32 s4;
	_ =	sdelay $0x1  }
0xa1: {  	s23 =	simm.s32 $0x1B8B  }
0xa2: {  	_ =	swait.ge [sflag:s23], $0x1  }
0xa3: {  	[sflag:s23] =	ssyncset.done $0x0  }
0xa4: {  	s25 =	simm.s32 $0x1B8E;
	s24 =	sld [smem:$0x3FFE];
	[sflag:s23] =	ssyncadd.s32 $0xFFFFFFFF  }
0xa5: {  	s26 =	simm.s32 $execute0_lowered;
	[smem:$0x3FD2] =	sst s25  }
0xa6: {  	s5 =	sshll.u32 s26, $0x1;
	_ =	strace $0x80000049;
	[dreg:$0x1] =	wrdreg $0xFFFFFFFF  }
0xa7: {  	s28 =	simm.s32 $_size_execute0_lowered;
	s3 =	sadd.s32 s3, s5;
	[dreg:$0x0] =	wrdreg $0x0  }
0xa8: {  	s5 =	sshll.u32 s28, $0x1;
	[dreg:$0x2] =	wrdreg s3  }
0xa9: {  	[dreg:$0x3] =	wrdreg s5  }
0xaa: {  	[dreg:$0x4] =	wrdreg $0xC0  }
0xab: {  	_ =	task [dreg:s7], $0x5FFFF  }
0xac: {  	[dreg:$0x1] =	wrdreg $0xFFFFFFFF  }
0xad: {  	[dreg:$0x0] =	wrdreg $0x60  }
0xae: {  	[dreg:$0x2] =	wrdreg s24  }
0xaf: {  	[dreg:$0x3] =	wrdreg s2  }
0xb0: {  	[dreg:$0x4] =	wrdreg $0x3C000  }
0xb1: {  	[dreg:$0x5] =	wrdreg $0x9  }
0xb2: {  	_ =	task.clear_ibuf [dreg:s7], $0x6FFFF;
	_ =	strace $0x90000049  }
0xb3: {  	s29 =	simm.s32 $0x9;
	_ =	strace $0x8000004B  }
0xb4: {  	_ =	swait.ge [sflag:s29], $0x1  }
0xb5: {  	[sflag:s29] =	ssyncadd.s32 $0xFFFFFFFF  }
0xb6: {  	_ =	strace $0x9000004B  }
0xb7: {  	_ =	sfence  }
0xb8: {  	s30 =	sld [smem:$0x0];
	_ =	sdelay $0x2  }
0xb9: {  	s31 =	sshll.u32 s1, $0xD;
	s1 =	sshrl.u32 s1, $0x2  }
0xba: {  	s3 =	sand.u32 $0x4000, s31;
	s1 =	sadd.s32 s1, s30  }
0xbb: {  	s0 =	sor.u32 s3, s0;
	s1 =	sshll.u32 s1, $0x11  }
0xbc: {  	s0 =	sor.u32 s1, s0  }
0xbd: {  	s0 =	sadd.s32 $0x8F2B, s0  }
0xbe: {  	[sflag:s0] =	ssyncadd.remote.s32 $0x1  }
0xbf: {  	_ =	sfence.sel $0xFFFF  }
0xc0: {  	[dreg:$0x0] =	wrdreg $0xFFFFFFFF;
	(pc) =	sbr.abs _section_cstart, $3  }
0xc1: {  	[dreg:$0x1] =	wrdreg $0xFFFFFFFF  }
0xc2: {  	_ =	task.clear_ibuf [dreg:s7], $0x2FFFF;
	_ =	strace $0x9FFFFFFF  }
0xc3: {  	(tm) =	ssettm $0x7FFFFFFF  }
tec
execute0_lowered:
.L_overlay_start_1:
0x0: {  	(tag) =	ssettag $0x1  }
0x1: {  	s4 =	rddreg [dreg:$0x0]  }
0x2: {  	s5 =	rddreg [dreg:$0x1]  }
0x3: {  	s2 =	rddreg [dreg:$0x2]  }
0x4: {  	s0 =	rddreg [dreg:$0x3];
	s1 =	stileid.u32;
	s3 =	simm.s32 $0x0  }
0x5: {  	s7 =	srdreg.scid;
	s16 =	simm.s32 $0x1;
	s17 =	simm.s32 $0x80  }
0x6: {  	s18 =	simm.s32 $0x4;
	s19 =	simm.s32 $0x2;
	s6 =	smul.u32 $0x6400, s1  }
0x7: {  	s20 =	simm.s32 $0x0;
	s7 =	sand.u32 $0x1, s7;
	s8 =	smul.u32 $0xC80, s1  }
0x8: {  	s9 =	sshll.u32 s1, $0x1;
	[smem:$0x7FF] =	sst s3;
	s14 =	smul.u32 $0x9C4, s1  }
0x9: {  	s11 =	sadd.s32 $0x2A000, s4;
	s31 =	sshll.u32 s1, $0x6;
	s10 =	smul.u32 $0xC800, s7  }
0xa: {  	s9 =	sor.u32 s7, s9;
	s13 =	ssub.s32 $0x2, s7;
	s7 =	smul.u32 $0x4E2, s7  }
0xb: {  	_ =	strace $0x8000004A;
	s9 =	smul.u32 $0x4E2, s9;
	s12 =	sshrl.u32 s6, $0x3  }
0xc: {  	s25 =	sshrl.u32 s13, $0x1;
	s30 =	sadd.s32 s6, s2;
	s8 =	sadd.s32 s8, s10  }
0xd: {  	s12 =	sadd.s32 s12, s4;
	s10 =	ssub.s32 s13, s25;
	s7 =	sadd.s32 s7, s14  }
0xe: {  	s14 =	simm.s32 $0x1400;
	s8 =	sadd.s32 s8, s4;
	s26 =	sshrl.u32 s9, $0x5  }
0xf: {  	s28 =	sadd.s32 $0x4E2, s9;
	s9 =	sshrl.u32 s9, $0x1;
	s7 =	sshrl.u32 s7, $0x5  }
0x10: {  	s6 =	sadd.s32 $0xED600, s12;
	s12 =	sor.u32 $0x1C03, s31;
	s29 =	smul.u32 $0x280, s26  }
.Ltmp0:
0x11: {  	s13 =	sshrl.u32 s28, $0x5;
	s9 =	sand.u32 $0x7FF0, s9;
	(pc) =	sbr.rel .LBB2_1-.Ltmp0, $4  }
0x12: {  	s15 =	smul.u32 $0x280, s7;
	s8 =	sadd.s32 $0xF9E00, s8;
	s4 =	ssub.s32 s13, s26  }
0x13: {  	s5 =	sadd.s32 s5, s9;
	s9 =	smax.u32 s10, $0x1;
	s13 =	sshrl.u32 s30, $0x3  }
0x14: {  	s7 =	sadd.s32 s11, s29;
	s11 =	sadd.s32 s15, s11;
	p0 =	slt.s32 s4, $0x1  }
0x15: {  	s15 =	simm.s32 $0x2800;
	s10 =	sadd.s32 $0x280, s11;
	s11 =	simm.s32 $0x3  }
.LBB2_10:
0x16: {  	s20 =	sadd.s32 $0x1, s20  }
0x17: {  	p1 =	sne.s32 s20, s9  }
.Ltmp1:
0x18: {  	[bflag:$0x0] =	sbarrier.arrive $0xFFFF;
	(pc) =	sbr.rel @!p1 .LBB2_11-.Ltmp1, $4  }
0x19: {  	[hbm:s8], [sflag:s12] =	dma.local [spmem:s13], $0xC80  }
0x1a: {  	_ =	swait.ge [sflag:s11], $0xC80  }
0x1b: {  	[sflag:s11] =	ssyncset.done $0x0  }
0x1c: {  	[sflag:s11] =	ssyncadd.s32 $0xFFFFF380  }
.LBB2_1:
0x1d: {  	[tilespmem:s3], [sflag:$0x3] =	stream.linear.gather [hbm4b:s5+s3], $0x1400, $0x38;
	[tilespmem:$0xA000] =	vst v63  }
0x1e: {  	_ =	swait.ge [sflag:s11], $0x1400  }
0x1f: {  	[sflag:s11] =	ssyncset.done $0x0  }
0x20: {  	[sflag:s11] =	ssyncadd.s32 $0xFFFFEC00  }
0x21: {  	[spmem:s13], [sflag:s12] =	dma.local [hbm:s6], $0xC80  }
.Ltmp2:
0x22: {  	_ =	swait.ge [sflag:s11], $0xC80;
	(pc) =	sbr.rel @!p0 .LBB2_2-.Ltmp2, $4  }
.Ltmp3:
0x23: {  	[sflag:s11] =	ssyncset.done $0x0;
	(pc) =	sbr.rel @p0 .LBB2_10-.Ltmp3, $4  }
0x24: {  	s23 =	simm.s32 $0x1;
	[sflag:s11] =	ssyncadd.s32 $0xFFFFF380  }
0x25: {  	s21 =	smov.u32 s10;
	s22 =	simm.s32 $0x0;
	[bflag:$0x0] =	sbarrier.arrive $0xFFFF  }
0x26: {  	[tilespmem:s14], [sflag:$0x1] =	stream.linear.gather [hbm4b:s7+s3], $0x1400, $0x38;
	[tilespmem:$0xA000] =	vst v63  }
0x27: {  	_ = 	snop  }
.LBB2_8:
0x28: {  	_ =	swait.ge [sflag:s19], $0x1400  }
0x29: {  	[sflag:s19] =	ssyncset.done $0x0  }
0x2a: {  	[sflag:s19] =	ssyncadd.s32 $0xFFFFEC00  }
0x2b: {  	[spmem:s2] =	stream.indirect.scatter.add.f32 [tilespmem:s15], [sflag:$0x3], $0x28, s22, s17, $0xb8;
	[tilespmem:$0xA000] =	vst v63  }
0x2c: {  	_ =	swait.ge [sflag:s11], $0x1400  }
0x2d: {  	[sflag:s11] =	ssyncset.done $0x0  }
0x2e: {  	[sflag:s11] =	ssyncadd.s32 $0xFFFFEC00  }
.LBB2_9:
0x2f: {  	p1 =	slt.s32 s23, s4  }
.Ltmp4:
0x30: {  	_ = 	snop;
	(pc) =	sbr.rel @!p1 .LBB2_10-.Ltmp4, $3  }
0x31: {  	_ =	sdelay $0x1  }
0x32: {  	s24 =	sadd.s32 $0x1, s23  }
0x33: {  	s22 =	sadd.s32 $0x80, s22;
	s21 =	sadd.s32 $0x280, s21;
	s23 =	smov.u32 s24  }
.LBB2_2:
0x34: {  	p1 =	sge.s32 s23, s4  }
.Ltmp5:
0x35: {  	_ = 	snop;
	(pc) =	sbr.rel @p1 .LBB2_6-.Ltmp5, $3  }
0x36: {  	_ =	sdelay $0x1  }
0x37: {  	s24 =	sadd.s32 $0xFFFFFFFF, s23  }
0x38: {  	s24 =	sand.u32 $0x1, s24  }
0x39: {  	p1 =	seq.s32 s24, $0x1  }
.Ltmp6:
0x3a: {  	_ = 	snop;
	(pc) =	sbr.rel @!p1 .LBB2_4-.Ltmp6, $1  }
0x3b: {  	_ =	sdelay $0x3  }
0x3c: {  	[tilespmem:s14], [sflag:$0x1] =	stream.linear.gather [hbm4b:s21+s3], $0x1400, $0x38;
	[tilespmem:$0xA000] =	vst v63  }
.LBB2_6:
0x3d: {  	p1 =	sne.s32 s24, $0x0  }
.Ltmp7:
0x3e: {  	_ = 	snop;
	(pc) =	sbr.rel @p1 .LBB2_8-.Ltmp7, $4  }
.Ltmp8:
0x3f: {  	_ = 	snop;
	(pc) =	sbr.rel @!p1 .LBB2_7-.Ltmp8, $4  }
0x40: {  	_ = 	snop  }
0x41: {  	_ = 	snop  }
0x42: {  	_ = 	snop  }
0x43: {  	_ = 	snop  }
.LBB2_4:
0x44: {  	[tilespmem:s15], [sflag:$0x2] =	stream.linear.gather [hbm4b:s21+s3], $0x1400, $0x38;
	[tilespmem:$0xA000] =	vst v63  }
.LBB2_7:
0x45: {  	_ =	swait.ge [sflag:s16], $0x1400  }
0x46: {  	[sflag:s16] =	ssyncset.done $0x0  }
0x47: {  	p1 =	seq.s32 s24, $0x0;
	[sflag:s16] =	ssyncadd.s32 $0xFFFFEC00  }
0x48: {  	[spmem:s2] =	stream.indirect.scatter.add.f32 [tilespmem:s14], [sflag:$0x4], $0x28, s22, s17, $0xb8;
	[tilespmem:$0xA000] =	vst v63  }
.Ltmp9:
0x49: {  	_ = 	snop;
	(pc) =	sbr.rel @p1 .LBB2_9-.Ltmp9, $4  }
.Ltmp10:
0x4a: {  	_ = 	snop;
	(pc) =	sbr.rel @!p1 .LBB2_8-.Ltmp10, $4  }
0x4b: {  	_ =	swait.ge [sflag:s18], $0x1400  }
0x4c: {  	[sflag:s18] =	ssyncset.done $0x0  }
0x4d: {  	[sflag:s18] =	ssyncadd.s32 $0xFFFFEC00  }
0x4e: {  	_ = 	snop  }
.LBB2_11:
0x4f: {  	_ =	sfence.sel $0x180000  }
0x50: {  	[bflag:$0x0] =	sbarrier.arrive $0xFFFF  }
0x51: {  	p0 =	sne.s32 s1, $0x0;
	_ =	strace $0x9000004A  }
0x52: {  	s0 =	sadd.s32 @!p0 $0x100000, s0;
	[bflag:$0x2] =	sbarrier.arrive $0xFFFF  }
0x53: {  	[sflag:s0] =	ssyncadd.tile.s32 @!p0 $0x1;
	_ =	shalt  }
.Lfunc_end2:
_tile_overlayer_lowered:
.L_overlay_start_2:
0x54: {  	(tag) =	ssettag $0x2  }
0x55: {  	s0 =	rddreg [dreg:$0x0];
	s2 =	stileid.u32  }
0x56: {  	s1 =	rddreg [dreg:$0x1];
	p0 =	sne.s32 s2, $0x0  }
0x57: {  	s3 =	rddreg [dreg:$0x2];
	[bflag:$0x3] =	sbarrier.arrive $0xFFFF;
	s2 =	simm.s32 @!p0 $0x1C03  }
0x58: {  	[timem:s3], [sflag:s2] =	dma.local @!p0 [hbm:s0], s1  }
0x59: {  	s0 =	simm.s32 @!p0 $0x3  }
0x5a: {  	_ =	swait.ge @!p0 [sflag:s0], s1  }
0x5b: {  	s1 =	ssub.s32 @!p0 $0x0, s1;
	[sflag:s0] =	ssyncset.done @!p0 $0x0  }
0x5c: {  	[sflag:s0] =	ssyncadd.s32 @!p0 s1  }
0x5d: {  	[bflag:$0x3] =	sbarrier.arrive $0xFFFF  }
0x5e: {  	_ =	shalt  }

</sc_bundles>
